<compile_context>
chip_gen: v7x
topology: tpu7x:2x2x1
jax: 0.10.2.dev20260603
libtpu: 0.0.44.dev20260713+nightly
codegen_flags: <defaults>
</compile_context>

<pallas_src>
import functools

import jax
import jax.numpy as jnp
from jax import lax
from jax.experimental import pallas as pl
from jax.experimental.pallas import tpu as pltpu
from jax.experimental.pallas import tpu_sc as plsc

N = 10000
NP = 10240
E = 320000
NTILES = 32
K = 80
C = 128
QC = 16
QN = K // QC
EP = NTILES * K * C
ROWS_PER_TILE = NP // 16


def _sc_mesh():
    return plsc.VectorSubcoreMesh(core_axis_name="c", subcore_axis_name="s")


def _count_body(col_hbm, zeros_hbm, out_hbm, ones_v, col_v, cnt_sh):
    c = lax.axis_index("c")
    s = lax.axis_index("s")
    wid = s * 2 + c
    for i in range(C // 16):
        ones_v[pl.ds(i * 16, 16)] = jnp.ones((16,), jnp.float32)
    pltpu.sync_copy(col_hbm.at[wid], col_v)
    pltpu.sync_copy(zeros_hbm.at[pl.ds(s * ROWS_PER_TILE, ROWS_PER_TILE)],
                    cnt_sh.at[pl.ds(s * ROWS_PER_TILE, ROWS_PER_TILE)])
    plsc.subcore_barrier()

    def chunk(j, _):
        pltpu.sync_copy(ones_v, cnt_sh.at[col_v.at[j]], add=True)
        return 0

    lax.fori_loop(0, K, chunk, 0)
    plsc.subcore_barrier()
    pltpu.sync_copy(cnt_sh.at[pl.ds(s * ROWS_PER_TILE, ROWS_PER_TILE)],
                    out_hbm.at[c, pl.ds(s * ROWS_PER_TILE, ROWS_PER_TILE)])


def _sc_count(col3, zeros1):
    return pl.kernel(
        _count_body,
        out_type=jax.ShapeDtypeStruct((2, NP), jnp.float32),
        mesh=_sc_mesh(),
        scratch_types=[
            pltpu.VMEM((C,), jnp.float32),
            pltpu.VMEM((K, C), jnp.int32),
            pltpu.VMEM_SHARED((NP,), jnp.float32),
        ],
    )(col3, zeros1)


def _edge_body(row_hbm, col_hbm, z_hbm, zeros_hbm, out_hbm,
               row_v, col_v, rows_a, rows_b, gsem, agg_sh):
    c = lax.axis_index("c")
    s = lax.axis_index("s")
    wid = s * 2 + c
    sl = pl.ds(s * ROWS_PER_TILE, ROWS_PER_TILE)
    pltpu.sync_copy(zeros_hbm.at[sl], agg_sh.at[sl])
    plsc.subcore_barrier()

    def quarter(q, _):
        pltpu.sync_copy(row_hbm.at[wid, pl.ds(q * QC, QC)], row_v)
        pltpu.sync_copy(col_hbm.at[wid, pl.ds(q * QC, QC)], col_v)
        pltpu.make_async_copy(z_hbm.at[row_v.at[0]], rows_a, gsem).start()

        def chunk(j, _):
            def do(cur, nxt):
                @pl.when(j + 1 < QC)
                def _():
                    pltpu.make_async_copy(z_hbm.at[row_v.at[j + 1]], nxt,
                                          gsem).start()
                pltpu.make_async_copy(z_hbm.at[row_v.at[j]], cur, gsem).wait()
                pltpu.sync_copy(cur, agg_sh.at[col_v.at[j]], add=True)

            even = lax.rem(j, 2) == 0

            @pl.when(even)
            def _():
                do(rows_a, rows_b)

            @pl.when(jnp.logical_not(even))
            def _():
                do(rows_b, rows_a)
            return 0

        lax.fori_loop(0, QC, chunk, 0)
        return 0

    lax.fori_loop(0, QN, quarter, 0)
    plsc.subcore_barrier()
    pltpu.sync_copy(agg_sh.at[sl], out_hbm.at[c, sl])


def _sc_edges(row3, col3, z, zeros2):
    return pl.kernel(
        _edge_body,
        out_type=jax.ShapeDtypeStruct((2, NP, 128), jnp.float32),
        mesh=_sc_mesh(),
        scratch_types=[
            pltpu.VMEM((QC, C), jnp.int32),
            pltpu.VMEM((QC, C), jnp.int32),
            pltpu.VMEM((C, 128), jnp.float32),
            pltpu.VMEM((C, 128), jnp.float32),
            pltpu.SemaphoreType.DMA,
            pltpu.VMEM_SHARED((NP, 128), jnp.float32),
        ],
    )(row3, col3, z, zeros2)


def _z_body(x_ref, w_ref, cnt_ref, z_ref):
    deg = cnt_ref[0] + cnt_ref[1] + 1.0
    dinv = lax.rsqrt(deg)
    y = lax.dot_general(x_ref[...], w_ref[...], (((1,), (1,)), ((), ())),
                        preferred_element_type=jnp.float32,
                        precision=lax.Precision.HIGHEST)
    z_ref[...] = y * dinv


def _tc_z(x_pad, w0, cnt3):
    blk = 1024
    return pl.pallas_call(
        _z_body,
        grid=(NP // blk,),
        in_specs=[
            pl.BlockSpec((blk, 128), lambda i: (i, 0)),
            pl.BlockSpec((128, 128), lambda i: (0, 0)),
            pl.BlockSpec((2, blk, 1), lambda i: (0, i, 0)),
        ],
        out_specs=pl.BlockSpec((blk, 128), lambda i: (i, 0)),
        out_shape=jax.ShapeDtypeStruct((NP, 128), jnp.float32),
    )(x_pad, w0, cnt3)


def _out_body(p_ref, z_ref, cnt_ref, o_ref):
    deg = cnt_ref[0] + cnt_ref[1] + 1.0
    dinv = lax.rsqrt(deg)
    agg = p_ref[0] + p_ref[1] + z_ref[...]
    o_ref[...] = jnp.maximum(agg * dinv, 0.0)


def _tc_out(parts, z, cnt3):
    blk = 1000
    return pl.pallas_call(
        _out_body,
        grid=(N // blk,),
        in_specs=[
            pl.BlockSpec((2, blk, 128), lambda i: (0, i, 0)),
            pl.BlockSpec((blk, 128), lambda i: (i, 0)),
            pl.BlockSpec((2, blk, 1), lambda i: (0, i, 0)),
        ],
        out_specs=pl.BlockSpec((blk, 128), lambda i: (i, 0)),
        out_shape=jax.ShapeDtypeStruct((N, 128), jnp.float32),
    )(parts, z, cnt3)


@jax.jit
def kernel(x, edge_index, W0):
    pad = EP - E
    row = jnp.concatenate([edge_index[0], jnp.full((pad,), N, jnp.int32)])
    col = jnp.concatenate([edge_index[1], jnp.full((pad,), N, jnp.int32)])
    row3 = row.reshape(NTILES, K, C)
    col3 = col.reshape(NTILES, K, C)
    x_pad = jnp.pad(x, ((0, NP - N), (0, 0)))

    zeros1 = jnp.zeros((NP,), jnp.float32)
    zeros2 = jnp.zeros((NP, 128), jnp.float32)

    counts = _sc_count(col3, zeros1)
    cnt3 = counts.reshape(2, NP, 1)
    z = _tc_z(x_pad, W0, cnt3)
    parts = _sc_edges(row3, col3, z, zeros2)
    return _tc_out(parts, z, cnt3)

# --- scband reference (transcript-rebuilt; emitter-appended) ---
"""Pipeline reference for scband-encoder-80994493268501 (READ-ONLY COPY).

The authoritative reference and input builder live on the scoring server;
editing this copy changes nothing except your own understanding.
"""

import jax, jax.numpy as jnp
import numpy as np

N = 10000
E = 320000
DIN = 128
DHID = 128


def setup_inputs(seed: int = 0) -> dict:
    key = jax.random.key(seed)
    k1, k2, k3 = jax.random.split(key, 3)
    x = jax.random.normal(k1, (N, DIN), dtype=jnp.float32)
    edge_index = jax.random.randint(k2, (2, E), 0, N, dtype=jnp.int32)
    # GCNConv's internal linear layer (nin -> nhid), bias-free as in PyG GCNConv.lin
    W0 = jax.random.normal(k3, (DHID, DIN), dtype=jnp.float32) * 0.05
    return {"x": x, "edge_index": edge_index, "W0": W0}


def reference(x, edge_index, W0):
    n = x.shape[0]
    # add_self_loops
    loops = jnp.arange(n, dtype=edge_index.dtype)
    ei = jnp.concatenate([edge_index, jnp.stack([loops, loops], axis=0)], axis=1)
    row, col = ei[0], ei[1]
    # degree(col, n) and symmetric GCN normalization
    deg = jnp.zeros((n,), dtype=x.dtype).at[col].add(1.0)
    deg_inv_sqrt = deg ** (-0.5)
    deg_inv_sqrt = jnp.where(jnp.isinf(deg_inv_sqrt), 0.0, deg_inv_sqrt)
    norm = deg_inv_sqrt[row] * deg_inv_sqrt[col]
    # propagate: gather source features, weight by norm, scatter-add to dst
    msgs = x[row] * norm[:, None]
    agg = jnp.zeros_like(x).at[col].add(msgs)
    # layers[:-1] applied with activation (nlayers=2 -> just layer 0: lin + relu)
    h = agg @ W0.T
    h = jax.nn.relu(h)
    return h

if __name__ == "__main__":
    import jax
    _d = setup_inputs()
    print(jax.jit(kernel)(*tuple(_d.values())))

</pallas_src>

<mosaic_0001>
#map = affine_map<(d0, d1) -> (0, 0, 0)>
#map1 = affine_map<(d0, d1) -> (0)>
#map2 = affine_map<(d0, d1) -> (0, 0)>
module attributes {stable_mosaic.version = 14 : i64} {
  func.func @_count_body(%arg0: i32, %arg1: i32, %arg2: memref<32x80x128xi32, #tpu.memory_space<hbm>>, %arg3: memref<10240xf32, #tpu.memory_space<hbm>>, %arg4: memref<2x10240xf32, #tpu.memory_space<hbm>>, %arg5: memref<128xf32, #tpu.memory_space<vmem>>, %arg6: memref<80x128xi32, #tpu.memory_space<vmem>>, %arg7: memref<10240xf32, #tpu.memory_space<vmem_shared>>) attributes {dimension_semantics = [#tpu.dimension_semantics<core_parallel>, #tpu.dimension_semantics<subcore_parallel>], iteration_bounds = array<i64: 2, 16>, scalar_prefetch = 0 : i64, scratch_operands = 3 : i64, tpu.core_type = #tpu.core_type<sc_vector_subcore>, window_params = [{transform_indices = #map}, {transform_indices = #map1}, {transform_indices = #map2}]} {
    %mul3A = arith.constant 2 : i32
    %mul3A_0 = arith.muli %arg1, %mul3A : i32
    %add3A = arith.addi %mul3A_0, %arg0 : i32
    %broadcast_in_dim3A = arith.constant 1.000000e+00 : f32
    %broadcast_in_dim3A_1 = vector.broadcast %broadcast_in_dim3A : f32 to vector<16xf32>
    %swap3A = arith.constant 0 : index
    %swap3A_2 = tpu.vector_load %arg5[%swap3A] {strides = array<i32>} : memref<128xf32, #tpu.memory_space<vmem>>, vector<16xf32>,
    %swap3A_3 = vector.shape_cast %swap3A_2 : vector<16xf32> to vector<16xf32>
    %swap3A_4 = vector.shape_cast %broadcast_in_dim3A_1 : vector<16xf32> to vector<16xf32>
    tpu.vector_store %arg5[%swap3A], %swap3A_4 {strides = array<i32>} : memref<128xf32, #tpu.memory_space<vmem>>, vector<16xf32>,
    %broadcast_in_dim3A_5 = arith.constant 1.000000e+00 : f32
    %broadcast_in_dim3A_6 = vector.broadcast %broadcast_in_dim3A_5 : f32 to vector<16xf32>
    %swap3A_7 = arith.constant 16 : index
    %swap3A_8 = tpu.vector_load %arg5[%swap3A_7] {strides = array<i32>} : memref<128xf32, #tpu.memory_space<vmem>>, vector<16xf32>,
    %swap3A_9 = vector.shape_cast %swap3A_8 : vector<16xf32> to vector<16xf32>
    %swap3A_10 = vector.shape_cast %broadcast_in_dim3A_6 : vector<16xf32> to vector<16xf32>
    tpu.vector_store %arg5[%swap3A_7], %swap3A_10 {strides = array<i32>} : memref<128xf32, #tpu.memory_space<vmem>>, vector<16xf32>,
    %broadcast_in_dim3A_11 = arith.constant 1.000000e+00 : f32
    %broadcast_in_dim3A_12 = vector.broadcast %broadcast_in_dim3A_11 : f32 to vector<16xf32>
    %swap3A_13 = arith.constant 32 : index
    %swap3A_14 = tpu.vector_load %arg5[%swap3A_13] {strides = array<i32>} : memref<128xf32, #tpu.memory_space<vmem>>, vector<16xf32>,
    %swap3A_15 = vector.shape_cast %swap3A_14 : vector<16xf32> to vector<16xf32>
    %swap3A_16 = vector.shape_cast %broadcast_in_dim3A_12 : vector<16xf32> to vector<16xf32>
    tpu.vector_store %arg5[%swap3A_13], %swap3A_16 {strides = array<i32>} : memref<128xf32, #tpu.memory_space<vmem>>, vector<16xf32>,
    %broadcast_in_dim3A_17 = arith.constant 1.000000e+00 : f32
    %broadcast_in_dim3A_18 = vector.broadcast %broadcast_in_dim3A_17 : f32 to vector<16xf32>
    %swap3A_19 = arith.constant 48 : index
    %swap3A_20 = tpu.vector_load %arg5[%swap3A_19] {strides = array<i32>} : memref<128xf32, #tpu.memory_space<vmem>>, vector<16xf32>,
    %swap3A_21 = vector.shape_cast %swap3A_20 : vector<16xf32> to vector<16xf32>
    %swap3A_22 = vector.shape_cast %broadcast_in_dim3A_18 : vector<16xf32> to vector<16xf32>
    tpu.vector_store %arg5[%swap3A_19], %swap3A_22 {strides = array<i32>} : memref<128xf32, #tpu.memory_space<vmem>>, vector<16xf32>,
    %broadcast_in_dim3A_23 = arith.constant 1.000000e+00 : f32
    %broadcast_in_dim3A_24 = vector.broadcast %broadcast_in_dim3A_23 : f32 to vector<16xf32>
    %swap3A_25 = arith.constant 64 : index
    %swap3A_26 = tpu.vector_load %arg5[%swap3A_25] {strides = array<i32>} : memref<128xf32, #tpu.memory_space<vmem>>, vector<16xf32>,
    %swap3A_27 = vector.shape_cast %swap3A_26 : vector<16xf32> to vector<16xf32>
    %swap3A_28 = vector.shape_cast %broadcast_in_dim3A_24 : vector<16xf32> to vector<16xf32>
    tpu.vector_store %arg5[%swap3A_25], %swap3A_28 {strides = array<i32>} : memref<128xf32, #tpu.memory_space<vmem>>, vector<16xf32>,
    %broadcast_in_dim3A_29 = arith.constant 1.000000e+00 : f32
    %broadcast_in_dim3A_30 = vector.broadcast %broadcast_in_dim3A_29 : f32 to vector<16xf32>
    %swap3A_31 = arith.constant 80 : index
    %swap3A_32 = tpu.vector_load %arg5[%swap3A_31] {strides = array<i32>} : memref<128xf32, #tpu.memory_space<vmem>>, vector<16xf32>,
    %swap3A_33 = vector.shape_cast %swap3A_32 : vector<16xf32> to vector<16xf32>
    %swap3A_34 = vector.shape_cast %broadcast_in_dim3A_30 : vector<16xf32> to vector<16xf32>
    tpu.vector_store %arg5[%swap3A_31], %swap3A_34 {strides = array<i32>} : memref<128xf32, #tpu.memory_space<vmem>>, vector<16xf32>,
    %broadcast_in_dim3A_35 = arith.constant 1.000000e+00 : f32
    %broadcast_in_dim3A_36 = vector.broadcast %broadcast_in_dim3A_35 : f32 to vector<16xf32>
    %swap3A_37 = arith.constant 96 : index
    %swap3A_38 = tpu.vector_load %arg5[%swap3A_37] {strides = array<i32>} : memref<128xf32, #tpu.memory_space<vmem>>, vector<16xf32>,
    %swap3A_39 = vector.shape_cast %swap3A_38 : vector<16xf32> to vector<16xf32>
    %swap3A_40 = vector.shape_cast %broadcast_in_dim3A_36 : vector<16xf32> to vector<16xf32>
    tpu.vector_store %arg5[%swap3A_37], %swap3A_40 {strides = array<i32>} : memref<128xf32, #tpu.memory_space<vmem>>, vector<16xf32>,
    %broadcast_in_dim3A_41 = arith.constant 1.000000e+00 : f32
    %broadcast_in_dim3A_42 = vector.broadcast %broadcast_in_dim3A_41 : f32 to vector<16xf32>
    %swap3A_43 = arith.constant 112 : index
    %swap3A_44 = tpu.vector_load %arg5[%swap3A_43] {strides = array<i32>} : memref<128xf32, #tpu.memory_space<vmem>>, vector<16xf32>,
    %swap3A_45 = vector.shape_cast %swap3A_44 : vector<16xf32> to vector<16xf32>
    %swap3A_46 = vector.shape_cast %broadcast_in_dim3A_42 : vector<16xf32> to vector<16xf32>
    tpu.vector_store %arg5[%swap3A_43], %swap3A_46 {strides = array<i32>} : memref<128xf32, #tpu.memory_space<vmem>>, vector<16xf32>,
    "tpu.region"() ({
      %run_scoped3A = tpu.sem_alloc : memref<!tpu.dma_semaphore, #tpu.memory_space<semaphore_mem>>
      %dma_start3A = arith.constant 0 : i32
      %dma_start3A_62 = arith.constant 0 : i32
      %dma_start3A_63 = tpu.memref_slice %arg2[%add3A, %dma_start3A, %dma_start3A_62] : memref<32x80x128xi32, #tpu.memory_space<hbm>> -> memref<1x80x128xi32, #tpu.memory_space<hbm>>
      %dma_start3A_64 = tpu.memref_squeeze %dma_start3A_63 : memref<1x80x128xi32, #tpu.memory_space<hbm>> -> memref<80x128xi32, #tpu.memory_space<hbm>>
      %dma_start3A_65 = arith.constant 0 : i32
      %dma_start3A_66 = arith.constant 0 : i32
      %dma_start3A_67 = tpu.memref_slice %arg2[%add3A, %dma_start3A_65, %dma_start3A_66] : memref<32x80x128xi32, #tpu.memory_space<hbm>> -> memref<1x80x128xi32, #tpu.memory_space<hbm>>
      %dma_start3A_68 = tpu.memref_squeeze %dma_start3A_67 : memref<1x80x128xi32, #tpu.memory_space<hbm>> -> memref<80x128xi32, #tpu.memory_space<hbm>>
      tpu.enqueue_dma source(%dma_start3A_68 : memref<80x128xi32, #tpu.memory_space<hbm>>) target(%arg6 : memref<80x128xi32, #tpu.memory_space<vmem>>) target_semaphore(%run_scoped3A : memref<!tpu.dma_semaphore, #tpu.memory_space<semaphore_mem>>)
      %dma_wait3A = arith.constant 0 : i32
      %dma_wait3A_69 = arith.constant 0 : i32
      %dma_wait3A_70 = tpu.memref_slice %arg2[%add3A, %dma_wait3A, %dma_wait3A_69] : memref<32x80x128xi32, #tpu.memory_space<hbm>> -> memref<1x80x128xi32, #tpu.memory_space<hbm>>
      %dma_wait3A_71 = tpu.memref_squeeze %dma_wait3A_70 : memref<1x80x128xi32, #tpu.memory_space<hbm>> -> memref<80x128xi32, #tpu.memory_space<hbm>>
      %dma_wait3A_72 = arith.constant 0 : i32
      %dma_wait3A_73 = arith.constant 0 : i32
      %dma_wait3A_74 = tpu.memref_slice %arg2[%add3A, %dma_wait3A_72, %dma_wait3A_73] : memref<32x80x128xi32, #tpu.memory_space<hbm>> -> memref<1x80x128xi32, #tpu.memory_space<hbm>>
      %dma_wait3A_75 = tpu.memref_squeeze %dma_wait3A_74 : memref<1x80x128xi32, #tpu.memory_space<hbm>> -> memref<80x128xi32, #tpu.memory_space<hbm>>
      tpu.wait_dma2 semaphore(%run_scoped3A : memref<!tpu.dma_semaphore, #tpu.memory_space<semaphore_mem>>) src(%dma_wait3A_75 : memref<80x128xi32, #tpu.memory_space<hbm>>) dst(%arg6 : memref<80x128xi32, #tpu.memory_space<vmem>>)
      tpu.yield
    }) : () -> ()
    %mul3A_47 = arith.constant 640 : i32
    %mul3A_48 = arith.muli %arg1, %mul3A_47 : i32
    %mul3A_49 = arith.constant 640 : i32
    %mul3A_50 = arith.muli %arg1, %mul3A_49 : i32
    "tpu.region"() ({
      %run_scoped3A = tpu.sem_alloc : memref<!tpu.dma_semaphore, #tpu.memory_space<semaphore_mem>>
      %dma_start3A = tpu.memref_slice %arg7[%mul3A_50] : memref<10240xf32, #tpu.memory_space<vmem_shared>> -> memref<640xf32, #tpu.memory_space<vmem_shared>>
      %dma_start3A_62 = tpu.memref_slice %arg3[%mul3A_48] : memref<10240xf32, #tpu.memory_space<hbm>> -> memref<640xf32, #tpu.memory_space<hbm>>
      tpu.enqueue_dma source(%dma_start3A_62 : memref<640xf32, #tpu.memory_space<hbm>>) target(%dma_start3A : memref<640xf32, #tpu.memory_space<vmem_shared>>) target_semaphore(%run_scoped3A : memref<!tpu.dma_semaphore, #tpu.memory_space<semaphore_mem>>)
      %dma_wait3A = tpu.memref_slice %arg7[%mul3A_50] : memref<10240xf32, #tpu.memory_space<vmem_shared>> -> memref<640xf32, #tpu.memory_space<vmem_shared>>
      %dma_wait3A_63 = tpu.memref_slice %arg3[%mul3A_48] : memref<10240xf32, #tpu.memory_space<hbm>> -> memref<640xf32, #tpu.memory_space<hbm>>
      tpu.wait_dma2 semaphore(%run_scoped3A : memref<!tpu.dma_semaphore, #tpu.memory_space<semaphore_mem>>) src(%dma_wait3A_63 : memref<640xf32, #tpu.memory_space<hbm>>) dst(%dma_wait3A : memref<640xf32, #tpu.memory_space<vmem_shared>>)
      tpu.yield
    }) : () -> ()
    %barrier3A = arith.constant 0 : index
    tpu.barrier barrier_id(%barrier3A)
    %scan3A = arith.constant 0 : i32
    %scan3A_51 = arith.constant 0 : i32
    %scan3A_52 = arith.constant 80 : i32
    %scan3A_53 = arith.addi %scan3A_51, %scan3A_52 : i32
    %scan3A_54 = arith.constant 1 : i32
    %scan3A_55 = scf.for %scan3A_62 = %scan3A_51 to %scan3A_53 step %scan3A_54 iter_args(%scan3A_63 = %scan3A) -> (i32)  : i32 {
      "tpu.region"() ({
        %run_scoped3A = tpu.sem_alloc : memref<!tpu.dma_semaphore, #tpu.memory_space<semaphore_mem>>
        %dma_start3A = arith.constant 0 : i32
        %dma_start3A_65 = tpu.memref_slice %arg6[%scan3A_62, %dma_start3A] : memref<80x128xi32, #tpu.memory_space<vmem>> -> memref<1x128xi32, #tpu.memory_space<vmem>>
        %dma_start3A_66 = tpu.memref_squeeze %dma_start3A_65 : memref<1x128xi32, #tpu.memory_space<vmem>> -> memref<128xi32, #tpu.memory_space<vmem>>
        %dma_start3A_67 = arith.constant 0 : i32
        %dma_start3A_68 = tpu.memref_slice %arg7[%dma_start3A_67] : memref<10240xf32, #tpu.memory_space<vmem_shared>> -> memref<10240xf32, #tpu.memory_space<vmem_shared>>
        tpu.enqueue_indirect_dma source(%arg5 : memref<128xf32, #tpu.memory_space<vmem>>) target(%dma_start3A_68 : memref<10240xf32, #tpu.memory_space<vmem_shared>>) offsets(%dma_start3A_66 : memref<128xi32, #tpu.memory_space<vmem>>) semaphore(%run_scoped3A : memref<!tpu.dma_semaphore, #tpu.memory_space<semaphore_mem>>) {add = true}
        %dma_wait3A = arith.constant 0 : i32
        %dma_wait3A_69 = tpu.memref_slice %arg6[%scan3A_62, %dma_wait3A] : memref<80x128xi32, #tpu.memory_space<vmem>> -> memref<1x128xi32, #tpu.memory_space<vmem>>
        %dma_wait3A_70 = tpu.memref_squeeze %dma_wait3A_69 : memref<1x128xi32, #tpu.memory_space<vmem>> -> memref<128xi32, #tpu.memory_space<vmem>>
        %dma_wait3A_71 = arith.constant 0 : i32
        %dma_wait3A_72 = tpu.memref_slice %arg7[%dma_wait3A_71] : memref<10240xf32, #tpu.memory_space<vmem_shared>> -> memref<10240xf32, #tpu.memory_space<vmem_shared>>
        tpu.wait_indirect_dma semaphore(%run_scoped3A : memref<!tpu.dma_semaphore, #tpu.memory_space<semaphore_mem>>) src(%arg5 : memref<128xf32, #tpu.memory_space<vmem>>) dst(%dma_wait3A_72 : memref<10240xf32, #tpu.memory_space<vmem_shared>>)
        tpu.yield
      }) : () -> ()
      %scan3A_64 = arith.constant 0 : i32
      scf.yield %scan3A_64 : i32
    }
    %scan3A_56 = arith.constant 80 : i32
    %barrier3A_57 = arith.constant 0 : index
    tpu.barrier barrier_id(%barrier3A_57)
    %mul3A_58 = arith.constant 640 : i32
    %mul3A_59 = arith.muli %arg1, %mul3A_58 : i32
    %mul3A_60 = arith.constant 640 : i32
    %mul3A_61 = arith.muli %arg1, %mul3A_60 : i32
    "tpu.region"() ({
      %run_scoped3A = tpu.sem_alloc : memref<!tpu.dma_semaphore, #tpu.memory_space<semaphore_mem>>
      %dma_start3A = tpu.memref_slice %arg4[%arg0, %mul3A_61] : memref<2x10240xf32, #tpu.memory_space<hbm>> -> memref<1x640xf32, #tpu.memory_space<hbm>>
      %dma_start3A_62 = tpu.memref_squeeze %dma_start3A : memref<1x640xf32, #tpu.memory_space<hbm>> -> memref<640xf32, #tpu.memory_space<hbm>>
      %dma_start3A_63 = tpu.memref_slice %arg7[%mul3A_59] : memref<10240xf32, #tpu.memory_space<vmem_shared>> -> memref<640xf32, #tpu.memory_space<vmem_shared>>
      tpu.enqueue_dma source(%dma_start3A_63 : memref<640xf32, #tpu.memory_space<vmem_shared>>) target(%dma_start3A_62 : memref<640xf32, #tpu.memory_space<hbm>>) target_semaphore(%run_scoped3A : memref<!tpu.dma_semaphore, #tpu.memory_space<semaphore_mem>>)
      %dma_wait3A = tpu.memref_slice %arg4[%arg0, %mul3A_61] : memref<2x10240xf32, #tpu.memory_space<hbm>> -> memref<1x640xf32, #tpu.memory_space<hbm>>
      %dma_wait3A_64 = tpu.memref_squeeze %dma_wait3A : memref<1x640xf32, #tpu.memory_space<hbm>> -> memref<640xf32, #tpu.memory_space<hbm>>
      %dma_wait3A_65 = tpu.memref_slice %arg7[%mul3A_59] : memref<10240xf32, #tpu.memory_space<vmem_shared>> -> memref<640xf32, #tpu.memory_space<vmem_shared>>
      tpu.wait_dma2 semaphore(%run_scoped3A : memref<!tpu.dma_semaphore, #tpu.memory_space<semaphore_mem>>) src(%dma_wait3A_65 : memref<640xf32, #tpu.memory_space<vmem_shared>>) dst(%dma_wait3A_64 : memref<640xf32, #tpu.memory_space<hbm>>)
      tpu.yield
    }) : () -> ()
    return
  }
}

#map = affine_map<(d0, d1) -> (0, 0, 0)>
#map1 = affine_map<(d0, d1) -> (0, 0)>
module attributes {stable_mosaic.version = 14 : i64} {
  func.func @_edge_body(%arg0: i32, %arg1: i32, %arg2: memref<32x80x128xi32, #tpu.memory_space<hbm>>, %arg3: memref<32x80x128xi32, #tpu.memory_space<hbm>>, %arg4: memref<10240x128xf32, #tpu.memory_space<hbm>>, %arg5: memref<10240x128xf32, #tpu.memory_space<hbm>>, %arg6: memref<2x10240x128xf32, #tpu.memory_space<hbm>>, %arg7: memref<16x128xi32, #tpu.memory_space<vmem>>, %arg8: memref<16x128xi32, #tpu.memory_space<vmem>>, %arg9: memref<128x128xf32, #tpu.memory_space<vmem>>, %arg10: memref<128x128xf32, #tpu.memory_space<vmem>>, %arg11: memref<!tpu.dma_semaphore, #tpu.memory_space<semaphore_mem>>, %arg12: memref<10240x128xf32, #tpu.memory_space<vmem_shared>>) attributes {dimension_semantics = [#tpu.dimension_semantics<core_parallel>, #tpu.dimension_semantics<subcore_parallel>], iteration_bounds = array<i64: 2, 16>, scalar_prefetch = 0 : i64, scratch_operands = 6 : i64, tpu.core_type = #tpu.core_type<sc_vector_subcore>, window_params = [{transform_indices = #map}, {transform_indices = #map}, {transform_indices = #map1}, {transform_indices = #map1}, {transform_indices = #map}]} {
    %mul3A = arith.constant 2 : i32
    %mul3A_0 = arith.muli %arg1, %mul3A : i32
    %add3A = arith.addi %mul3A_0, %arg0 : i32
    %mul3A_1 = arith.constant 640 : i32
    %mul3A_2 = arith.muli %arg1, %mul3A_1 : i32
    "tpu.region"() ({
      %run_scoped3A = tpu.sem_alloc : memref<!tpu.dma_semaphore, #tpu.memory_space<semaphore_mem>>
      %dma_start3A = arith.constant 0 : i32
      %dma_start3A_10 = tpu.memref_slice %arg12[%mul3A_2, %dma_start3A] : memref<10240x128xf32, #tpu.memory_space<vmem_shared>> -> memref<640x128xf32, #tpu.memory_space<vmem_shared>>
      %dma_start3A_11 = arith.constant 0 : i32
      %dma_start3A_12 = tpu.memref_slice %arg5[%mul3A_2, %dma_start3A_11] : memref<10240x128xf32, #tpu.memory_space<hbm>> -> memref<640x128xf32, #tpu.memory_space<hbm>>
      tpu.enqueue_dma source(%dma_start3A_12 : memref<640x128xf32, #tpu.memory_space<hbm>>) target(%dma_start3A_10 : memref<640x128xf32, #tpu.memory_space<vmem_shared>>) target_semaphore(%run_scoped3A : memref<!tpu.dma_semaphore, #tpu.memory_space<semaphore_mem>>)
      %dma_wait3A = arith.constant 0 : i32
      %dma_wait3A_13 = tpu.memref_slice %arg12[%mul3A_2, %dma_wait3A] : memref<10240x128xf32, #tpu.memory_space<vmem_shared>> -> memref<640x128xf32, #tpu.memory_space<vmem_shared>>
      %dma_wait3A_14 = arith.constant 0 : i32
      %dma_wait3A_15 = tpu.memref_slice %arg5[%mul3A_2, %dma_wait3A_14] : memref<10240x128xf32, #tpu.memory_space<hbm>> -> memref<640x128xf32, #tpu.memory_space<hbm>>
      tpu.wait_dma2 semaphore(%run_scoped3A : memref<!tpu.dma_semaphore, #tpu.memory_space<semaphore_mem>>) src(%dma_wait3A_15 : memref<640x128xf32, #tpu.memory_space<hbm>>) dst(%dma_wait3A_13 : memref<640x128xf32, #tpu.memory_space<vmem_shared>>)
      tpu.yield
    }) : () -> ()
    %barrier3A = arith.constant 0 : index
    tpu.barrier barrier_id(%barrier3A)
    %scan3A = arith.constant 0 : i32
    %scan3A_3 = arith.constant 0 : i32
    %scan3A_4 = arith.constant 5 : i32
    %scan3A_5 = arith.addi %scan3A_3, %scan3A_4 : i32
    %scan3A_6 = arith.constant 1 : i32
    %scan3A_7 = scf.for %scan3A_10 = %scan3A_3 to %scan3A_5 step %scan3A_6 iter_args(%scan3A_11 = %scan3A) -> (i32)  : i32 {
      %mul3A_12 = arith.constant 16 : i32
      %mul3A_13 = arith.muli %scan3A_10, %mul3A_12 : i32
      "tpu.region"() ({
        %run_scoped3A = tpu.sem_alloc : memref<!tpu.dma_semaphore, #tpu.memory_space<semaphore_mem>>
        %dma_start3A_30 = arith.constant 0 : i32
        %dma_start3A_31 = tpu.memref_slice %arg2[%add3A, %mul3A_13, %dma_start3A_30] : memref<32x80x128xi32, #tpu.memory_space<hbm>> -> memref<1x16x128xi32, #tpu.memory_space<hbm>>
        %dma_start3A_32 = tpu.memref_squeeze %dma_start3A_31 : memref<1x16x128xi32, #tpu.memory_space<hbm>> -> memref<16x128xi32, #tpu.memory_space<hbm>>
        %dma_start3A_33 = arith.constant 0 : i32
        %dma_start3A_34 = tpu.memref_slice %arg2[%add3A, %mul3A_13, %dma_start3A_33] : memref<32x80x128xi32, #tpu.memory_space<hbm>> -> memref<1x16x128xi32, #tpu.memory_space<hbm>>
        %dma_start3A_35 = tpu.memref_squeeze %dma_start3A_34 : memref<1x16x128xi32, #tpu.memory_space<hbm>> -> memref<16x128xi32, #tpu.memory_space<hbm>>
        tpu.enqueue_dma source(%dma_start3A_35 : memref<16x128xi32, #tpu.memory_space<hbm>>) target(%arg7 : memref<16x128xi32, #tpu.memory_space<vmem>>) target_semaphore(%run_scoped3A : memref<!tpu.dma_semaphore, #tpu.memory_space<semaphore_mem>>)
        %dma_wait3A = arith.constant 0 : i32
        %dma_wait3A_36 = tpu.memref_slice %arg2[%add3A, %mul3A_13, %dma_wait3A] : memref<32x80x128xi32, #tpu.memory_space<hbm>> -> memref<1x16x128xi32, #tpu.memory_space<hbm>>
        %dma_wait3A_37 = tpu.memref_squeeze %dma_wait3A_36 : memref<1x16x128xi32, #tpu.memory_space<hbm>> -> memref<16x128xi32, #tpu.memory_space<hbm>>
        %dma_wait3A_38 = arith.constant 0 : i32
        %dma_wait3A_39 = tpu.memref_slice %arg2[%add3A, %mul3A_13, %dma_wait3A_38] : memref<32x80x128xi32, #tpu.memory_space<hbm>> -> memref<1x16x128xi32, #tpu.memory_space<hbm>>
        %dma_wait3A_40 = tpu.memref_squeeze %dma_wait3A_39 : memref<1x16x128xi32, #tpu.memory_space<hbm>> -> memref<16x128xi32, #tpu.memory_space<hbm>>
        tpu.wait_dma2 semaphore(%run_scoped3A : memref<!tpu.dma_semaphore, #tpu.memory_space<semaphore_mem>>) src(%dma_wait3A_40 : memref<16x128xi32, #tpu.memory_space<hbm>>) dst(%arg7 : memref<16x128xi32, #tpu.memory_space<vmem>>)
        tpu.yield
      }) : () -> ()
      %mul3A_14 = arith.constant 16 : i32
      %mul3A_15 = arith.muli %scan3A_10, %mul3A_14 : i32
      "tpu.region"() ({
        %run_scoped3A = tpu.sem_alloc : memref<!tpu.dma_semaphore, #tpu.memory_space<semaphore_mem>>
        %dma_start3A_30 = arith.constant 0 : i32
        %dma_start3A_31 = tpu.memref_slice %arg3[%add3A, %mul3A_15, %dma_start3A_30] : memref<32x80x128xi32, #tpu.memory_space<hbm>> -> memref<1x16x128xi32, #tpu.memory_space<hbm>>
        %dma_start3A_32 = tpu.memref_squeeze %dma_start3A_31 : memref<1x16x128xi32, #tpu.memory_space<hbm>> -> memref<16x128xi32, #tpu.memory_space<hbm>>
        %dma_start3A_33 = arith.constant 0 : i32
        %dma_start3A_34 = tpu.memref_slice %arg3[%add3A, %mul3A_15, %dma_start3A_33] : memref<32x80x128xi32, #tpu.memory_space<hbm>> -> memref<1x16x128xi32, #tpu.memory_space<hbm>>
        %dma_start3A_35 = tpu.memref_squeeze %dma_start3A_34 : memref<1x16x128xi32, #tpu.memory_space<hbm>> -> memref<16x128xi32, #tpu.memory_space<hbm>>
        tpu.enqueue_dma source(%dma_start3A_35 : memref<16x128xi32, #tpu.memory_space<hbm>>) target(%arg8 : memref<16x128xi32, #tpu.memory_space<vmem>>) target_semaphore(%run_scoped3A : memref<!tpu.dma_semaphore, #tpu.memory_space<semaphore_mem>>)
        %dma_wait3A = arith.constant 0 : i32
        %dma_wait3A_36 = tpu.memref_slice %arg3[%add3A, %mul3A_15, %dma_wait3A] : memref<32x80x128xi32, #tpu.memory_space<hbm>> -> memref<1x16x128xi32, #tpu.memory_space<hbm>>
        %dma_wait3A_37 = tpu.memref_squeeze %dma_wait3A_36 : memref<1x16x128xi32, #tpu.memory_space<hbm>> -> memref<16x128xi32, #tpu.memory_space<hbm>>
        %dma_wait3A_38 = arith.constant 0 : i32
        %dma_wait3A_39 = tpu.memref_slice %arg3[%add3A, %mul3A_15, %dma_wait3A_38] : memref<32x80x128xi32, #tpu.memory_space<hbm>> -> memref<1x16x128xi32, #tpu.memory_space<hbm>>
        %dma_wait3A_40 = tpu.memref_squeeze %dma_wait3A_39 : memref<1x16x128xi32, #tpu.memory_space<hbm>> -> memref<16x128xi32, #tpu.memory_space<hbm>>
        tpu.wait_dma2 semaphore(%run_scoped3A : memref<!tpu.dma_semaphore, #tpu.memory_space<semaphore_mem>>) src(%dma_wait3A_40 : memref<16x128xi32, #tpu.memory_space<hbm>>) dst(%arg8 : memref<16x128xi32, #tpu.memory_space<vmem>>)
        tpu.yield
      }) : () -> ()
      %dma_start3A = arith.constant 0 : i32
      %dma_start3A_16 = arith.constant 0 : i32
      %dma_start3A_17 = tpu.memref_slice %arg7[%dma_start3A, %dma_start3A_16] : memref<16x128xi32, #tpu.memory_space<vmem>> -> memref<1x128xi32, #tpu.memory_space<vmem>>
      %dma_start3A_18 = tpu.memref_squeeze %dma_start3A_17 : memref<1x128xi32, #tpu.memory_space<vmem>> -> memref<128xi32, #tpu.memory_space<vmem>>
      %dma_start3A_19 = arith.constant 0 : i32
      %dma_start3A_20 = arith.constant 0 : i32
      %dma_start3A_21 = tpu.memref_slice %arg4[%dma_start3A_19, %dma_start3A_20] : memref<10240x128xf32, #tpu.memory_space<hbm>> -> memref<10240x128xf32, #tpu.memory_space<hbm>>
      tpu.enqueue_indirect_dma source(%dma_start3A_21 : memref<10240x128xf32, #tpu.memory_space<hbm>>) target(%arg9 : memref<128x128xf32, #tpu.memory_space<vmem>>) offsets(%dma_start3A_18 : memref<128xi32, #tpu.memory_space<vmem>>) semaphore(%arg11 : memref<!tpu.dma_semaphore, #tpu.memory_space<semaphore_mem>>)
      %scan3A_22 = arith.constant 0 : i32
      %scan3A_23 = arith.constant 0 : i32
      %scan3A_24 = arith.constant 16 : i32
      %scan3A_25 = arith.addi %scan3A_23, %scan3A_24 : i32
      %scan3A_26 = arith.constant 1 : i32
      %scan3A_27 = scf.for %scan3A_30 = %scan3A_23 to %scan3A_25 step %scan3A_26 iter_args(%scan3A_31 = %scan3A_22) -> (i32)  : i32 {
        %rem3A = arith.constant 2 : i32
        %rem3A_32 = arith.remsi %scan3A_30, %rem3A : i32
        %eq3A = arith.constant 0 : i32
        %eq3A_33 = arith.cmpi eq, %rem3A_32, %eq3A : i32
        %convert_element_type3A = arith.extui %eq3A_33 : i1 to i32
        %cond3A = arith.constant 0 : i32
        %cond3A_34 = arith.cmpi ne, %convert_element_type3A, %cond3A : i32
        scf.if %cond3A_34 {
          %add3A_40 = arith.constant 1 : i32
          %add3A_41 = arith.addi %scan3A_30, %add3A_40 : i32
          %lt3A = arith.constant 16 : i32
          %lt3A_42 = arith.cmpi slt, %add3A_41, %lt3A : i32
          %convert_element_type3A_43 = arith.extui %lt3A_42 : i1 to i32
          %cond3A_44 = arith.constant 0 : i32
          %cond3A_45 = arith.cmpi ne, %convert_element_type3A_43, %cond3A_44 : i32
          scf.if %cond3A_45 {
            %add3A_51 = arith.constant 1 : i32
            %add3A_52 = arith.addi %scan3A_30, %add3A_51 : i32
            %dma_start3A_53 = arith.constant 0 : i32
            %dma_start3A_54 = tpu.memref_slice %arg7[%add3A_52, %dma_start3A_53] : memref<16x128xi32, #tpu.memory_space<vmem>> -> memref<1x128xi32, #tpu.memory_space<vmem>>
            %dma_start3A_55 = tpu.memref_squeeze %dma_start3A_54 : memref<1x128xi32, #tpu.memory_space<vmem>> -> memref<128xi32, #tpu.memory_space<vmem>>
            %dma_start3A_56 = arith.constant 0 : i32
            %dma_start3A_57 = arith.constant 0 : i32
            %dma_start3A_58 = tpu.memref_slice %arg4[%dma_start3A_56, %dma_start3A_57] : memref<10240x128xf32, #tpu.memory_space<hbm>> -> memref<10240x128xf32, #tpu.memory_space<hbm>>
            tpu.enqueue_indirect_dma source(%dma_start3A_58 : memref<10240x128xf32, #tpu.memory_space<hbm>>) target(%arg10 : memref<128x128xf32, #tpu.memory_space<vmem>>) offsets(%dma_start3A_55 : memref<128xi32, #tpu.memory_space<vmem>>) semaphore(%arg11 : memref<!tpu.dma_semaphore, #tpu.memory_space<semaphore_mem>>)
          } else {
          }
          %dma_wait3A = arith.constant 0 : i32
          %dma_wait3A_46 = tpu.memref_slice %arg7[%scan3A_30, %dma_wait3A] : memref<16x128xi32, #tpu.memory_space<vmem>> -> memref<1x128xi32, #tpu.memory_space<vmem>>
          %dma_wait3A_47 = tpu.memref_squeeze %dma_wait3A_46 : memref<1x128xi32, #tpu.memory_space<vmem>> -> memref<128xi32, #tpu.memory_space<vmem>>
          %dma_wait3A_48 = arith.constant 0 : i32
          %dma_wait3A_49 = arith.constant 0 : i32
          %dma_wait3A_50 = tpu.memref_slice %arg4[%dma_wait3A_48, %dma_wait3A_49] : memref<10240x128xf32, #tpu.memory_space<hbm>> -> memref<10240x128xf32, #tpu.memory_space<hbm>>
          tpu.wait_indirect_dma semaphore(%arg11 : memref<!tpu.dma_semaphore, #tpu.memory_space<semaphore_mem>>) src(%dma_wait3A_50 : memref<10240x128xf32, #tpu.memory_space<hbm>>) dst(%arg9 : memref<128x128xf32, #tpu.memory_space<vmem>>)
          "tpu.region"() ({
            %run_scoped3A = tpu.sem_alloc : memref<!tpu.dma_semaphore, #tpu.memory_space<semaphore_mem>>
            %dma_start3A_51 = arith.constant 0 : i32
            %dma_start3A_52 = tpu.memref_slice %arg8[%scan3A_30, %dma_start3A_51] : memref<16x128xi32, #tpu.memory_space<vmem>> -> memref<1x128xi32, #tpu.memory_space<vmem>>
            %dma_start3A_53 = tpu.memref_squeeze %dma_start3A_52 : memref<1x128xi32, #tpu.memory_space<vmem>> -> memref<128xi32, #tpu.memory_space<vmem>>
            %dma_start3A_54 = arith.constant 0 : i32
            %dma_start3A_55 = arith.constant 0 : i32
            %dma_start3A_56 = tpu.memref_slice %arg12[%dma_start3A_54, %dma_start3A_55] : memref<10240x128xf32, #tpu.memory_space<vmem_shared>> -> memref<10240x128xf32, #tpu.memory_space<vmem_shared>>
            tpu.enqueue_indirect_dma source(%arg9 : memref<128x128xf32, #tpu.memory_space<vmem>>) target(%dma_start3A_56 : memref<10240x128xf32, #tpu.memory_space<vmem_shared>>) offsets(%dma_start3A_53 : memref<128xi32, #tpu.memory_space<vmem>>) semaphore(%run_scoped3A : memref<!tpu.dma_semaphore, #tpu.memory_space<semaphore_mem>>) {add = true}
            %dma_wait3A_57 = arith.constant 0 : i32
            %dma_wait3A_58 = tpu.memref_slice %arg8[%scan3A_30, %dma_wait3A_57] : memref<16x128xi32, #tpu.memory_space<vmem>> -> memref<1x128xi32, #tpu.memory_space<vmem>>
            %dma_wait3A_59 = tpu.memref_squeeze %dma_wait3A_58 : memref<1x128xi32, #tpu.memory_space<vmem>> -> memref<128xi32, #tpu.memory_space<vmem>>
            %dma_wait3A_60 = arith.constant 0 : i32
            %dma_wait3A_61 = arith.constant 0 : i32
            %dma_wait3A_62 = tpu.memref_slice %arg12[%dma_wait3A_60, %dma_wait3A_61] : memref<10240x128xf32, #tpu.memory_space<vmem_shared>> -> memref<10240x128xf32, #tpu.memory_space<vmem_shared>>
            tpu.wait_indirect_dma semaphore(%run_scoped3A : memref<!tpu.dma_semaphore, #tpu.memory_space<semaphore_mem>>) src(%arg9 : memref<128x128xf32, #tpu.memory_space<vmem>>) dst(%dma_wait3A_62 : memref<10240x128xf32, #tpu.memory_space<vmem_shared>>)
            tpu.yield
          }) : () -> ()
        } else {
        }
        %not3A = arith.constant true
        %not3A_35 = arith.xori %eq3A_33, %not3A : i1
        %convert_element_type3A_36 = arith.extui %not3A_35 : i1 to i32
        %cond3A_37 = arith.constant 0 : i32
        %cond3A_38 = arith.cmpi ne, %convert_element_type3A_36, %cond3A_37 : i32
        scf.if %cond3A_38 {
          %add3A_40 = arith.constant 1 : i32
          %add3A_41 = arith.addi %scan3A_30, %add3A_40 : i32
          %lt3A = arith.constant 16 : i32
          %lt3A_42 = arith.cmpi slt, %add3A_41, %lt3A : i32
          %convert_element_type3A_43 = arith.extui %lt3A_42 : i1 to i32
          %cond3A_44 = arith.constant 0 : i32
          %cond3A_45 = arith.cmpi ne, %convert_element_type3A_43, %cond3A_44 : i32
          scf.if %cond3A_45 {
            %add3A_51 = arith.constant 1 : i32
            %add3A_52 = arith.addi %scan3A_30, %add3A_51 : i32
            %dma_start3A_53 = arith.constant 0 : i32
            %dma_start3A_54 = tpu.memref_slice %arg7[%add3A_52, %dma_start3A_53] : memref<16x128xi32, #tpu.memory_space<vmem>> -> memref<1x128xi32, #tpu.memory_space<vmem>>
            %dma_start3A_55 = tpu.memref_squeeze %dma_start3A_54 : memref<1x128xi32, #tpu.memory_space<vmem>> -> memref<128xi32, #tpu.memory_space<vmem>>
            %dma_start3A_56 = arith.constant 0 : i32
            %dma_start3A_57 = arith.constant 0 : i32
            %dma_start3A_58 = tpu.memref_slice %arg4[%dma_start3A_56, %dma_start3A_57] : memref<10240x128xf32, #tpu.memory_space<hbm>> -> memref<10240x128xf32, #tpu.memory_space<hbm>>
            tpu.enqueue_indirect_dma source(%dma_start3A_58 : memref<10240x128xf32, #tpu.memory_space<hbm>>) target(%arg9 : memref<128x128xf32, #tpu.memory_space<vmem>>) offsets(%dma_start3A_55 : memref<128xi32, #tpu.memory_space<vmem>>) semaphore(%arg11 : memref<!tpu.dma_semaphore, #tpu.memory_space<semaphore_mem>>)
          } else {
          }
          %dma_wait3A = arith.constant 0 : i32
          %dma_wait3A_46 = tpu.memref_slice %arg7[%scan3A_30, %dma_wait3A] : memref<16x128xi32, #tpu.memory_space<vmem>> -> memref<1x128xi32, #tpu.memory_space<vmem>>
          %dma_wait3A_47 = tpu.memref_squeeze %dma_wait3A_46 : memref<1x128xi32, #tpu.memory_space<vmem>> -> memref<128xi32, #tpu.memory_space<vmem>>
          %dma_wait3A_48 = arith.constant 0 : i32
          %dma_wait3A_49 = arith.constant 0 : i32
          %dma_wait3A_50 = tpu.memref_slice %arg4[%dma_wait3A_48, %dma_wait3A_49] : memref<10240x128xf32, #tpu.memory_space<hbm>> -> memref<10240x128xf32, #tpu.memory_space<hbm>>
          tpu.wait_indirect_dma semaphore(%arg11 : memref<!tpu.dma_semaphore, #tpu.memory_space<semaphore_mem>>) src(%dma_wait3A_50 : memref<10240x128xf32, #tpu.memory_space<hbm>>) dst(%arg10 : memref<128x128xf32, #tpu.memory_space<vmem>>)
          "tpu.region"() ({
            %run_scoped3A = tpu.sem_alloc : memref<!tpu.dma_semaphore, #tpu.memory_space<semaphore_mem>>
            %dma_start3A_51 = arith.constant 0 : i32
            %dma_start3A_52 = tpu.memref_slice %arg8[%scan3A_30, %dma_start3A_51] : memref<16x128xi32, #tpu.memory_space<vmem>> -> memref<1x128xi32, #tpu.memory_space<vmem>>
            %dma_start3A_53 = tpu.memref_squeeze %dma_start3A_52 : memref<1x128xi32, #tpu.memory_space<vmem>> -> memref<128xi32, #tpu.memory_space<vmem>>
            %dma_start3A_54 = arith.constant 0 : i32
            %dma_start3A_55 = arith.constant 0 : i32
            %dma_start3A_56 = tpu.memref_slice %arg12[%dma_start3A_54, %dma_start3A_55] : memref<10240x128xf32, #tpu.memory_space<vmem_shared>> -> memref<10240x128xf32, #tpu.memory_space<vmem_shared>>
            tpu.enqueue_indirect_dma source(%arg10 : memref<128x128xf32, #tpu.memory_space<vmem>>) target(%dma_start3A_56 : memref<10240x128xf32, #tpu.memory_space<vmem_shared>>) offsets(%dma_start3A_53 : memref<128xi32, #tpu.memory_space<vmem>>) semaphore(%run_scoped3A : memref<!tpu.dma_semaphore, #tpu.memory_space<semaphore_mem>>) {add = true}
            %dma_wait3A_57 = arith.constant 0 : i32
            %dma_wait3A_58 = tpu.memref_slice %arg8[%scan3A_30, %dma_wait3A_57] : memref<16x128xi32, #tpu.memory_space<vmem>> -> memref<1x128xi32, #tpu.memory_space<vmem>>
            %dma_wait3A_59 = tpu.memref_squeeze %dma_wait3A_58 : memref<1x128xi32, #tpu.memory_space<vmem>> -> memref<128xi32, #tpu.memory_space<vmem>>
            %dma_wait3A_60 = arith.constant 0 : i32
            %dma_wait3A_61 = arith.constant 0 : i32
            %dma_wait3A_62 = tpu.memref_slice %arg12[%dma_wait3A_60, %dma_wait3A_61] : memref<10240x128xf32, #tpu.memory_space<vmem_shared>> -> memref<10240x128xf32, #tpu.memory_space<vmem_shared>>
            tpu.wait_indirect_dma semaphore(%run_scoped3A : memref<!tpu.dma_semaphore, #tpu.memory_space<semaphore_mem>>) src(%arg10 : memref<128x128xf32, #tpu.memory_space<vmem>>) dst(%dma_wait3A_62 : memref<10240x128xf32, #tpu.memory_space<vmem_shared>>)
            tpu.yield
          }) : () -> ()
        } else {
        }
        %scan3A_39 = arith.constant 0 : i32
        scf.yield %scan3A_39 : i32
      }
      %scan3A_28 = arith.constant 16 : i32
      %scan3A_29 = arith.constant 0 : i32
      scf.yield %scan3A_29 : i32
    }
    %scan3A_8 = arith.constant 5 : i32
    %barrier3A_9 = arith.constant 0 : index
    tpu.barrier barrier_id(%barrier3A_9)
    "tpu.region"() ({
      %run_scoped3A = tpu.sem_alloc : memref<!tpu.dma_semaphore, #tpu.memory_space<semaphore_mem>>
      %dma_start3A = arith.constant 0 : i32
      %dma_start3A_10 = tpu.memref_slice %arg6[%arg0, %mul3A_2, %dma_start3A] : memref<2x10240x128xf32, #tpu.memory_space<hbm>> -> memref<1x640x128xf32, #tpu.memory_space<hbm>>
      %dma_start3A_11 = tpu.memref_squeeze %dma_start3A_10 : memref<1x640x128xf32, #tpu.memory_space<hbm>> -> memref<640x128xf32, #tpu.memory_space<hbm>>
      %dma_start3A_12 = arith.constant 0 : i32
      %dma_start3A_13 = tpu.memref_slice %arg12[%mul3A_2, %dma_start3A_12] : memref<10240x128xf32, #tpu.memory_space<vmem_shared>> -> memref<640x128xf32, #tpu.memory_space<vmem_shared>>
      tpu.enqueue_dma source(%dma_start3A_13 : memref<640x128xf32, #tpu.memory_space<vmem_shared>>) target(%dma_start3A_11 : memref<640x128xf32, #tpu.memory_space<hbm>>) target_semaphore(%run_scoped3A : memref<!tpu.dma_semaphore, #tpu.memory_space<semaphore_mem>>)
      %dma_wait3A = arith.constant 0 : i32
      %dma_wait3A_14 = tpu.memref_slice %arg6[%arg0, %mul3A_2, %dma_wait3A] : memref<2x10240x128xf32, #tpu.memory_space<hbm>> -> memref<1x640x128xf32, #tpu.memory_space<hbm>>
      %dma_wait3A_15 = tpu.memref_squeeze %dma_wait3A_14 : memref<1x640x128xf32, #tpu.memory_space<hbm>> -> memref<640x128xf32, #tpu.memory_space<hbm>>
      %dma_wait3A_16 = arith.constant 0 : i32
      %dma_wait3A_17 = tpu.memref_slice %arg12[%mul3A_2, %dma_wait3A_16] : memref<10240x128xf32, #tpu.memory_space<vmem_shared>> -> memref<640x128xf32, #tpu.memory_space<vmem_shared>>
      tpu.wait_dma2 semaphore(%run_scoped3A : memref<!tpu.dma_semaphore, #tpu.memory_space<semaphore_mem>>) src(%dma_wait3A_17 : memref<640x128xf32, #tpu.memory_space<vmem_shared>>) dst(%dma_wait3A_15 : memref<640x128xf32, #tpu.memory_space<hbm>>)
      tpu.yield
    }) : () -> ()
    return
  }
}

module attributes {stable_mosaic.version = 14 : i64} {
  func.func @_z_body(%arg0: i32, %arg1: memref<1024x128xf32, #tpu.memory_space<vmem>>, %arg2: memref<128x128xf32, #tpu.memory_space<vmem>>, %arg3: memref<2x1024x1xf32, #tpu.memory_space<vmem>>, %arg4: memref<1024x128xf32, #tpu.memory_space<vmem>>) attributes {dimension_semantics = [#tpu.dimension_semantics<arbitrary>], iteration_bounds = array<i64: 10>, scalar_prefetch = 0 : i64, scratch_operands = 0 : i64, tpu.core_type = #tpu.core_type<tc>, window_params = [{transform_indices = @transform_0, window_bounds = array<i64: 1024, 128>}, {pipeline_mode = #tpu.pipeline_mode<synchronous>, transform_indices = @transform_1, window_bounds = array<i64: 128, 128>}, {transform_indices = @transform_2, window_bounds = array<i64: 2, 1024, 1>}, {transform_indices = @transform_3, window_bounds = array<i64: 1024, 128>}]} {
    %get3A = arith.constant 0 : index
    %get3A_0 = arith.constant 0 : index
    %get3A_1 = arith.constant 0 : index
    %get3A_2 = vector.load %arg3[%get3A, %get3A_0, %get3A_1] : memref<2x1024x1xf32, #tpu.memory_space<vmem>>, vector<1x1024x1xf32>
    %get3A_3 = vector.shape_cast %get3A_2 : vector<1x1024x1xf32> to vector<1024x1xf32>
    %get3A_4 = arith.constant 1 : index
    %get3A_5 = arith.constant 0 : index
    %get3A_6 = arith.constant 0 : index
    %get3A_7 = vector.load %arg3[%get3A_4, %get3A_5, %get3A_6] : memref<2x1024x1xf32, #tpu.memory_space<vmem>>, vector<1x1024x1xf32>
    %get3A_8 = vector.shape_cast %get3A_7 : vector<1x1024x1xf32> to vector<1024x1xf32>
    %add3A = arith.addf %get3A_3, %get3A_8 : vector<1024x1xf32>
    %add3A_9 = arith.constant 1.000000e+00 : f32
    %add3A_10 = vector.broadcast %add3A_9 : f32 to vector<1024x1xf32>
    %add3A_11 = arith.addf %add3A, %add3A_10 : vector<1024x1xf32>
    %rsqrt3A = math.rsqrt %add3A_11 : vector<1024x1xf32>
    %get3A_12 = arith.constant 0 : index
    %get3A_13 = arith.constant 0 : index
    %get3A_14 = vector.load %arg1[%get3A_12, %get3A_13] : memref<1024x128xf32, #tpu.memory_space<vmem>>, vector<1024x128xf32>
    %get3A_15 = arith.constant 0 : index
    %get3A_16 = arith.constant 0 : index
    %get3A_17 = vector.load %arg2[%get3A_15, %get3A_16] : memref<128x128xf32, #tpu.memory_space<vmem>>, vector<128x128xf32>
    %dot_general3A = arith.constant dense<0.000000e+00> : vector<1024x128xf32>
    %dot_general3A_18 = tpu.matmul %get3A_14, %get3A_17, %dot_general3A {dimension_numbers = #tpu.dot_dimension_numbers<[1], [1], [0], [0], [0, 0, 1, 0], [], []>, precision = #tpu.contract_precision<fp32>, transpose_lhs_hint = false} : vector<1024x128xf32>, vector<128x128xf32>, vector<1024x128xf32> -> vector<1024x128xf32>
    %mul3A = vector.broadcast %rsqrt3A : vector<1024x1xf32> to vector<1024x128xf32>
    %mul3A_19 = arith.mulf %dot_general3A_18, %mul3A : vector<1024x128xf32>
    %swap3A = arith.constant 0 : index
    %swap3A_20 = arith.constant 0 : index
    %swap3A_21 = vector.load %arg4[%swap3A, %swap3A_20] : memref<1024x128xf32, #tpu.memory_space<vmem>>, vector<1024x128xf32>
    tpu.vector_store %arg4[%swap3A, %swap3A_20], %mul3A_19 {strides = array<i32>} : memref<1024x128xf32, #tpu.memory_space<vmem>>, vector<1024x128xf32>,
    return
  }
  func.func @transform_0(%arg0: i32) -> (i32, i32) {
    %c0_i32 = arith.constant 0 : i32
    %c0_i32_0 = arith.constant 0 : i32
    return %arg0, %c0_i32 : i32, i32
  }
  func.func @transform_1(%arg0: i32) -> (i32, i32) {
    %c0_i32 = arith.constant 0 : i32
    %c0_i32_0 = arith.constant 0 : i32
    %c0_i32_1 = arith.constant 0 : i32
    return %c0_i32, %c0_i32_0 : i32, i32
  }
  func.func @transform_2(%arg0: i32) -> (i32, i32, i32) {
    %c0_i32 = arith.constant 0 : i32
    %c0_i32_0 = arith.constant 0 : i32
    %c0_i32_1 = arith.constant 0 : i32
    return %c0_i32, %arg0, %c0_i32_0 : i32, i32, i32
  }
  func.func @transform_3(%arg0: i32) -> (i32, i32) {
    %c0_i32 = arith.constant 0 : i32
    %c0_i32_0 = arith.constant 0 : i32
    return %arg0, %c0_i32 : i32, i32
  }
}

module attributes {stable_mosaic.version = 14 : i64} {
  func.func @_out_body(%arg0: i32, %arg1: memref<2x1000x128xf32, #tpu.memory_space<vmem>>, %arg2: memref<1000x128xf32, #tpu.memory_space<vmem>>, %arg3: memref<2x1000x1xf32, #tpu.memory_space<vmem>>, %arg4: memref<1000x128xf32, #tpu.memory_space<vmem>>) attributes {dimension_semantics = [#tpu.dimension_semantics<arbitrary>], iteration_bounds = array<i64: 10>, scalar_prefetch = 0 : i64, scratch_operands = 0 : i64, tpu.core_type = #tpu.core_type<tc>, window_params = [{transform_indices = @transform_0, window_bounds = array<i64: 2, 1000, 128>}, {transform_indices = @transform_1, window_bounds = array<i64: 1000, 128>}, {transform_indices = @transform_2, window_bounds = array<i64: 2, 1000, 1>}, {transform_indices = @transform_3, window_bounds = array<i64: 1000, 128>}]} {
    %get3A = arith.constant 0 : index
    %get3A_0 = arith.constant 0 : index
    %get3A_1 = arith.constant 0 : index
    %get3A_2 = vector.load %arg3[%get3A, %get3A_0, %get3A_1] : memref<2x1000x1xf32, #tpu.memory_space<vmem>>, vector<1x1000x1xf32>
    %get3A_3 = vector.shape_cast %get3A_2 : vector<1x1000x1xf32> to vector<1000x1xf32>
    %get3A_4 = arith.constant 1 : index
    %get3A_5 = arith.constant 0 : index
    %get3A_6 = arith.constant 0 : index
    %get3A_7 = vector.load %arg3[%get3A_4, %get3A_5, %get3A_6] : memref<2x1000x1xf32, #tpu.memory_space<vmem>>, vector<1x1000x1xf32>
    %get3A_8 = vector.shape_cast %get3A_7 : vector<1x1000x1xf32> to vector<1000x1xf32>
    %add3A = arith.addf %get3A_3, %get3A_8 : vector<1000x1xf32>
    %add3A_9 = arith.constant 1.000000e+00 : f32
    %add3A_10 = vector.broadcast %add3A_9 : f32 to vector<1000x1xf32>
    %add3A_11 = arith.addf %add3A, %add3A_10 : vector<1000x1xf32>
    %rsqrt3A = math.rsqrt %add3A_11 : vector<1000x1xf32>
    %get3A_12 = arith.constant 0 : index
    %get3A_13 = arith.constant 0 : index
    %get3A_14 = arith.constant 0 : index
    %get3A_15 = vector.load %arg1[%get3A_12, %get3A_13, %get3A_14] : memref<2x1000x128xf32, #tpu.memory_space<vmem>>, vector<1x1000x128xf32>
    %get3A_16 = vector.shape_cast %get3A_15 : vector<1x1000x128xf32> to vector<1000x128xf32>
    %get3A_17 = arith.constant 1 : index
    %get3A_18 = arith.constant 0 : index
    %get3A_19 = arith.constant 0 : index
    %get3A_20 = vector.load %arg1[%get3A_17, %get3A_18, %get3A_19] : memref<2x1000x128xf32, #tpu.memory_space<vmem>>, vector<1x1000x128xf32>
    %get3A_21 = vector.shape_cast %get3A_20 : vector<1x1000x128xf32> to vector<1000x128xf32>
    %add3A_22 = arith.addf %get3A_16, %get3A_21 : vector<1000x128xf32>
    %get3A_23 = arith.constant 0 : index
    %get3A_24 = arith.constant 0 : index
    %get3A_25 = vector.load %arg2[%get3A_23, %get3A_24] : memref<1000x128xf32, #tpu.memory_space<vmem>>, vector<1000x128xf32>
    %add3A_26 = arith.addf %add3A_22, %get3A_25 : vector<1000x128xf32>
    %mul3A = vector.broadcast %rsqrt3A : vector<1000x1xf32> to vector<1000x128xf32>
    %mul3A_27 = arith.mulf %add3A_26, %mul3A : vector<1000x128xf32>
    %max3A = arith.constant 0.000000e+00 : f32
    %max3A_28 = vector.broadcast %max3A : f32 to vector<1000x128xf32>
    %max3A_29 = arith.maximumf %mul3A_27, %max3A_28 : vector<1000x128xf32>
    %swap3A = arith.constant 0 : index
    %swap3A_30 = arith.constant 0 : index
    %swap3A_31 = vector.load %arg4[%swap3A, %swap3A_30] : memref<1000x128xf32, #tpu.memory_space<vmem>>, vector<1000x128xf32>
    tpu.vector_store %arg4[%swap3A, %swap3A_30], %max3A_29 {strides = array<i32>} : memref<1000x128xf32, #tpu.memory_space<vmem>>, vector<1000x128xf32>,
    return
  }
  func.func @transform_0(%arg0: i32) -> (i32, i32, i32) {
    %c0_i32 = arith.constant 0 : i32
    %c0_i32_0 = arith.constant 0 : i32
    %c0_i32_1 = arith.constant 0 : i32
    return %c0_i32, %arg0, %c0_i32_0 : i32, i32, i32
  }
  func.func @transform_1(%arg0: i32) -> (i32, i32) {
    %c0_i32 = arith.constant 0 : i32
    %c0_i32_0 = arith.constant 0 : i32
    return %arg0, %c0_i32 : i32, i32
  }
  func.func @transform_2(%arg0: i32) -> (i32, i32, i32) {
    %c0_i32 = arith.constant 0 : i32
    %c0_i32_0 = arith.constant 0 : i32
    %c0_i32_1 = arith.constant 0 : i32
    return %c0_i32, %arg0, %c0_i32_0 : i32, i32, i32
  }
  func.func @transform_3(%arg0: i32) -> (i32, i32) {
    %c0_i32 = arith.constant 0 : i32
    %c0_i32_0 = arith.constant 0 : i32
    return %arg0, %c0_i32 : i32, i32
  }
}

</mosaic_0001>

<sc_bundles>
// kernel: kernel.6.cloned.1.call-start
scs
__scs_entry_jumppad:
0x0: {  	(pc) =	sbr.rel $0x88, $3  }
0x1: {  	(tag) =	ssettag $0x0;
	lr =	simm.s32 $0x1  }
0x2: {  	[smem:$0x3F9E] =	sst lr;
	_ =	strace $0xD0000000  }
0x3: {  	_ = 	snop  }
0x4: {  	_ = 	snop  }
0x5: {  	_ = 	snop  }
0x6: {  	_ = 	snop  }
0x7: {  	_ = 	snop  }
__scs_overlays_trampoline_lowered:
0x8: {  	[smem:$0x3FAD] =	sst s0  }
0x9: {  	[smem:$0x3FAE] =	sst s1  }
0xa: {  	[smem:$0x3FAF] =	sst s2  }
0xb: {  	[smem:$0x3FB0] =	sst s3  }
0xc: {  	[smem:$0x3FB1] =	sst s4  }
0xd: {  	[smem:$0x3FB2] =	sst s5  }
0xe: {  	[smem:$0x3FB3] =	sst s6  }
0xf: {  	[smem:$0x3FB4] =	sst s7  }
0x10: {  	[smem:$0x3FB5] =	sst s8  }
0x11: {  	[smem:$0x3FB6] =	sst s9;
	s0 =	simm.s32 @!p0 $0x0  }
0x12: {  	s1 =	sld [smem:$0x3F9C];
	s0 =	simm.s32 @p0 $0x1  }
0x13: {  	[smem:$0x3FB7] =	sst s0;
	s0 =	simm.s32 @!p1 $0x0  }
0x14: {  	s2 =	sld [smem:$0x3F9B];
	s0 =	simm.s32 @p1 $0x1  }
0x15: {  	[smem:$0x3FB8] =	sst s0;
	s0 =	simm.s32 @!p2 $0x0  }
0x16: {  	s3 =	sld [smem:$0x3FDB];
	s0 =	simm.s32 @p2 $0x1  }
0x17: {  	s4 =	simm.s32 $0x1BF5;
	[smem:$0x3FBA] =	sst s0  }
0x18: {  	s0 =	sld [smem:$0x3F9D];
	_ =	swait.ge [sflag:s4], $0x0  }
0x19: {  	s7 =	sld [smem:$0x3F9E]  }
0x1a: {  	s8 =	sadd.s32 $0xFFFFE003, lr  }
0x1b: {  	s9 =	sadd.s32 $0xFFFFFEF7, lr;
	s5 =	simm.s32 $0xFFFFFFFF;
	p2 =	slt.u32 s8, $0xFFFFF086  }
0x1c: {  	p1 =	slt.u32 s9, $0xF7A;
	s5 =	simm.s32 @!p2 $0x0  }
0x1d: {  	s5 =	simm.s32 @p1 $0x1;
	p0 =	seq.s32 s7, s2  }
0x1e: {  	s7 =	smul.u32 @!p0 $0xF7A, s2;
	p2 =	seq.s32 @!p0 s5, $0x0  }
0x1f: {  	s9 =	smul.u32 $0xF7A, s1;
	s8 =	simm.s32 @!p0 $0x1BF5;
	p2 =	por !p2, p0  }
0x20: {  	[sflag:s8] =	ssyncset.s32 @!p0 $0xFFFFF086;
	s6 =	sadd.s32 @!p0 s3, s7;
	s7 =	simm.s32 @!p0 $0x108  }
0x21: {  	s3 =	sadd.s32 s3, s9;
	s6 =	sadd.s32 @!p0 $0x88, s6;
	s7 =	simm.s32 @p2 $0x1082  }
0x22: {  	[simem:s7], [sflag:s8] =	dma.local @!p0 [hbm:s6], $0xF7A  }
0x23: {  	s9 =	sor.u32 $0xD0000000, s2;
	s6 =	simm.s32 $0x108;
	_ =	swait.ge @!p0 [sflag:s8], $0x0  }
0x24: {  	s3 =	sadd.s32 $0x88, s3;
	s6 =	simm.s32 @!p1 $0x1082;
	[sflag:s4] =	ssyncset.s32 $0xFFFFF086  }
0x25: {  	[simem:s6], [sflag:s4] =	dma.local [hbm:s3], $0xF7A  }
0x26: {  	[smem:$0x3F9E] =	sst s1;
	(tag) =	ssettag s2;
	_ =	strace s9  }
0x27: {  	s1 =	sld [smem:$0x3FAE]  }
0x28: {  	s2 =	sld [smem:$0x3FAF]  }
0x29: {  	s4 =	sld [smem:$0x3FB1]  }
0x2a: {  	p0 =	seq.s32 s5, $0x0;
	s5 =	sld [smem:$0x3FB2]  }
0x2b: {  	s6 =	sld [smem:$0x3FB3]  }
0x2c: {  	s7 =	sld [smem:$0x3FB4]  }
0x2d: {  	s3 =	simm.s32 $0x108;
	s8 =	sld [smem:$0x3FB5]  }
0x2e: {  	s3 =	simm.s32 @!p0 $0x1082;
	s9 =	sld [smem:$0x3FB6]  }
0x2f: {  	lr =	sadd.s32 s0, s3;
	s0 =	sld [smem:$0x3FAD]  }
0x30: {  	s3 =	sld [smem:$0x3FB0]  }
0x31: {  	[smem:$0x3FB9] =	sst s10  }
0x32: {  	s10 =	sld [smem:$0x3FB7];
	_ =	sdelay $0x3  }
0x33: {  	p0 =	seq.s32 s10, $0x1;
	s10 =	sld [smem:$0x3FB9];
	_ =	sdelay $0x3  }
0x34: {  	[smem:$0x3FB9] =	sst s10  }
0x35: {  	s10 =	sld [smem:$0x3FB8];
	_ =	sdelay $0x3  }
0x36: {  	p1 =	seq.s32 s10, $0x1;
	s10 =	sld [smem:$0x3FB9];
	_ =	sdelay $0x3  }
0x37: {  	[smem:$0x3FB9] =	sst s10  }
0x38: {  	s10 =	sld [smem:$0x3FBA]  }
0x39: {  	_ = 	snop;
	(pc) =	sbr.ind lr, $3  }
0x3a: {  	_ = 	snop  }
0x3b: {  	_ = 	snop  }
0x3c: {  	p2 =	seq.s32 s10, $0x1;
	s10 =	sld [smem:$0x3FB9]  }
0x3d: {  	_ =	shalt  }
0x3e: {  	_ =	shalt  }
0x3f: {  	_ =	shalt  }
0x40: {  	_ =	shalt  }
0x41: {  	_ =	shalt  }
0x42: {  	_ =	shalt  }
0x43: {  	_ =	shalt  }
0x44: {  	_ =	shalt  }
0x45: {  	_ =	shalt  }
0x46: {  	_ =	shalt  }
0x47: {  	_ =	shalt  }
0x48: {  	_ =	shalt  }
0x49: {  	_ =	shalt  }
0x4a: {  	_ =	shalt  }
0x4b: {  	_ =	shalt  }
0x4c: {  	_ =	shalt  }
0x4d: {  	_ =	shalt  }
0x4e: {  	_ =	shalt  }
0x4f: {  	_ =	shalt  }
0x50: {  	_ =	shalt  }
0x51: {  	_ =	shalt  }
0x52: {  	_ =	shalt  }
0x53: {  	_ =	shalt  }
0x54: {  	_ =	shalt  }
0x55: {  	_ =	shalt  }
0x56: {  	_ =	shalt  }
0x57: {  	_ =	shalt  }
0x58: {  	_ =	shalt  }
0x59: {  	_ =	shalt  }
0x5a: {  	_ =	shalt  }
0x5b: {  	_ =	shalt  }
0x5c: {  	_ =	shalt  }
0x5d: {  	_ =	shalt  }
0x5e: {  	_ =	shalt  }
0x5f: {  	_ =	shalt  }
0x60: {  	_ =	shalt  }
0x61: {  	_ =	shalt  }
0x62: {  	_ =	shalt  }
0x63: {  	_ =	shalt  }
0x64: {  	_ =	shalt  }
0x65: {  	_ =	shalt  }
0x66: {  	_ =	shalt  }
0x67: {  	_ =	shalt  }
0x68: {  	_ =	shalt  }
0x69: {  	_ =	shalt  }
0x6a: {  	_ =	shalt  }
0x6b: {  	_ =	shalt  }
0x6c: {  	_ =	shalt  }
0x6d: {  	_ =	shalt  }
0x6e: {  	_ =	shalt  }
0x6f: {  	_ =	shalt  }
0x70: {  	_ =	shalt  }
0x71: {  	_ =	shalt  }
0x72: {  	_ =	shalt  }
0x73: {  	_ =	shalt  }
0x74: {  	_ =	shalt  }
0x75: {  	_ =	shalt  }
0x76: {  	_ =	shalt  }
0x77: {  	_ =	shalt  }
0x78: {  	_ =	shalt  }
0x79: {  	_ =	shalt  }
0x7a: {  	_ =	shalt  }
0x7b: {  	_ =	shalt  }
0x7c: {  	_ =	shalt  }
0x7d: {  	_ =	shalt  }
0x7e: {  	_ =	shalt  }
0x7f: {  	_ =	shalt  }
0x80: {  	_ =	shalt  }
0x81: {  	_ =	shalt  }
0x82: {  	_ =	shalt  }
0x83: {  	_ =	shalt  }
0x84: {  	_ =	shalt  }
0x85: {  	_ =	shalt  }
0x86: {  	_ =	shalt  }
0x87: {  	_ =	shalt  }
.Lfunc_end0:
.L_simem_size_0:
called_computation_lowered:
.L_overlay_start_0:
0x88: {  	s2 =	sld [smem:$0x3FD9]  }
0x89: {  	s3 =	sld [smem:$0x3FFE];
	_ =	sdelay $0x1  }
0x8a: {  	s1 =	srdreg.scid  }
0x8b: {  	s0 =	sand.u32 $0x1, s1  }
0x8c: {  	s16 =	sshll.u32 s0, $0xA;
	s2 =	sadd.s32 s3, s2  }
0x8d: {  	s2 =	sadd.s32 s2, s16  }
0x8e: {  	[smem:$0x3FC5] =	sst s2  }
0x8f: {  	_ = 	snop  }
0x90: {  	(tm) =	ssettm $0x1  }
0x91: {  	s17 =	sld [smem:$0x3FFB];
	_ =	sdelay $0x3  }
0x92: {  	_ =	strace s17  }
0x93: {  	s2 =	sld [smem:$0x3FFC];
	_ =	sdelay $0x3  }
0x94: {  	_ =	strace s2  }
0x95: {  	s2 =	sld [smem:$0x3FFD];
	_ =	sdelay $0x3  }
0x96: {  	_ =	strace s2  }
0x97: {  	_ =	strace $0x8FFFFFFF  }
0x98: {  	s18 =	sld [smem:$0x3FDB];
	_ =	sdelay $0x1  }
0x99: {  	s19 =	simm.s32 $_scs_section_size  }
0x9a: {  	s4 =	simm.s32 $_size__tile_overlayer_lowered;
	s5 =	simm.s32 $_tile_overlayer_lowered  }
0x9b: {  	s22 =	simm.s32 $0x1BFF;
	s21 =	sshll.u32 s5, $0x1;
	s2 =	sadd.s32 s19, s18  }
0x9c: {  	s6 =	simm.s32 $0x0;
	s20 =	sshll.u32 s4, $0x1;
	s4 =	sadd.s32 s21, s2  }
0x9d: {  	[timem:s6], [sflag:s22] =	dma.local [hbm:s4], s20  }
0x9e: {  	_ =	swait.ge [sflag:s22], s20  }
0x9f: {  	s3 =	ssub.s32 $0x0, s20;
	[sflag:s22] =	ssyncset.done $0x0  }
0xa0: {  	[sflag:s22] =	ssyncadd.s32 s3;
	_ =	sdelay $0x1  }
0xa1: {  	s23 =	simm.s32 $0x1B8B  }
0xa2: {  	_ =	swait.ge [sflag:s23], $0x1  }
0xa3: {  	[sflag:s23] =	ssyncset.done $0x0  }
0xa4: {  	s25 =	simm.s32 $0x1B8E;
	s24 =	sld [smem:$0x3FFE];
	[sflag:s23] =	ssyncadd.s32 $0xFFFFFFFF  }
0xa5: {  	s26 =	simm.s32 $execute0_lowered;
	[smem:$0x3FD2] =	sst s25  }
0xa6: {  	s4 =	sshll.u32 s26, $0x1;
	_ =	strace $0x80000046;
	[dreg:$0x1] =	wrdreg $0xFFFFFFFF  }
0xa7: {  	s28 =	simm.s32 $_size_execute0_lowered;
	s2 =	sadd.s32 s2, s4;
	[dreg:$0x0] =	wrdreg $0x0  }
0xa8: {  	s4 =	sshll.u32 s28, $0x1;
	[dreg:$0x2] =	wrdreg s2  }
0xa9: {  	[dreg:$0x3] =	wrdreg s4  }
0xaa: {  	[dreg:$0x4] =	wrdreg $0xC0  }
0xab: {  	_ =	task [dreg:s6], $0x5FFFF  }
0xac: {  	[dreg:$0x1] =	wrdreg $0xFFFFFFFF  }
0xad: {  	[dreg:$0x0] =	wrdreg $0x60  }
0xae: {  	[dreg:$0x2] =	wrdreg s24  }
0xaf: {  	[dreg:$0x3] =	wrdreg $0x28800  }
0xb0: {  	[dreg:$0x4] =	wrdreg $0x9  }
0xb1: {  	_ =	task.clear_ibuf [dreg:s6], $0x5FFFF;
	_ =	strace $0x90000046  }
0xb2: {  	s29 =	simm.s32 $0x9;
	_ =	strace $0x80000048  }
0xb3: {  	_ =	swait.ge [sflag:s29], $0x1  }
0xb4: {  	[sflag:s29] =	ssyncadd.s32 $0xFFFFFFFF  }
0xb5: {  	_ =	strace $0x90000048  }
0xb6: {  	_ =	sfence  }
0xb7: {  	s30 =	sld [smem:$0x0];
	_ =	sdelay $0x2  }
0xb8: {  	s31 =	sshll.u32 s1, $0xD;
	s1 =	sshrl.u32 s1, $0x2  }
0xb9: {  	s3 =	sand.u32 $0x4000, s31;
	s1 =	sadd.s32 s1, s30  }
0xba: {  	s0 =	sor.u32 s3, s0;
	s1 =	sshll.u32 s1, $0x11  }
0xbb: {  	s0 =	sor.u32 s1, s0  }
0xbc: {  	s0 =	sadd.s32 $0x8F2B, s0  }
0xbd: {  	[sflag:s0] =	ssyncadd.remote.s32 $0x1  }
0xbe: {  	_ =	sfence.sel $0xFFFF  }
0xbf: {  	[dreg:$0x0] =	wrdreg $0xFFFFFFFF;
	(pc) =	sbr.abs _section_cstart, $3  }
0xc0: {  	[dreg:$0x1] =	wrdreg $0xFFFFFFFF  }
0xc1: {  	_ =	task.clear_ibuf [dreg:s6], $0x2FFFF;
	_ =	strace $0x9FFFFFFF  }
0xc2: {  	(tm) =	ssettm $0x7FFFFFFF  }
0xc3: {  	_ =	shalt  }
tec
execute0_lowered:
.L_overlay_start_1:
0x0: {  	(tag) =	ssettag $0x1  }
0x1: {  	s1 =	srdreg.scid;
	s5 =	rddreg [dreg:$0x0]  }
0x2: {  	s0 =	stileid.u32;
	s2 =	rddreg [dreg:$0x1]  }
0x3: {  	s3 =	simm.s32 $0x0;
	s12 =	simm.s32 $0x20;
	s13 =	simm.s32 $0x10  }
0x4: {  	s14 =	simm.s32 $0x0;
	s4 =	sand.u32 $0x1, s1;
	s7 =	smul.u32 $0x280, s0  }
0x5: {  	s28 =	sshll.u32 s0, $0x1;
	[smem:$0x7FF] =	sst s3;
	s8 =	smul.u32 $0x500, s0  }
0x6: {  	s31 =	sshll.u32 s0, $0x6;
	s1 =	sor.u32 s4, s28;
	s9 =	sshll.u32 s4, $0x7  }
0x7: {  	s4 =	ssub.s32 $0x2, s4;
	s6 =	smul.u32 $0x500, s1;
	s1 =	rddreg [dreg:$0x2]  }
0x8: {  	_ =	strace $0x80000047;
	s10 =	sshrl.u32 s7, $0x3;
	s8 =	sor.u32 s9, s8  }
0x9: {  	s30 =	sshrl.u32 s4, $0x1;
	s11 =	sadd.s32 s7, s2;
	s9 =	simm.s32 $0x1  }
0xa: {  	s29 =	sadd.s32 s10, s5;
	s8 =	sshrl.u32 s8, $0x3;
	s10 =	ssub.s32 s4, s30  }
0xb: {  	s11 =	sshrl.u32 s11, $0x3;
	s6 =	sadd.s32 s6, s5;
	s8 =	sadd.s32 s8, s5  }
0xc: {  	s5 =	sadd.s32 $0xB200, s29;
	s7 =	smax.u32 s10, $0x1;
	s10 =	sor.u32 $0x1C01, s31  }
0xd: {  	v0 =	vimm.f32 $1.000000000e+00;
	s4 =	sadd.s32 $0x1200, s6;
	s6 =	sadd.s32 $0xB800, s8;
	s8 =	simm.s32 $0x80  }
.LBB2_1:
0xe: {  	[tilespmem:$0x0] =	vst v0  }
0xf: {  	[tilespmem:$0x10] =	vst v0  }
0x10: {  	[tilespmem:$0x20] =	vst v0  }
0x11: {  	[tilespmem:$0x30] =	vst v0  }
0x12: {  	[tilespmem:$0x40] =	vst v0  }
0x13: {  	[tilespmem:$0x50] =	vst v0  }
0x14: {  	[tilespmem:$0x60] =	vst v0  }
0x15: {  	[tilespmem:$0x70] =	vst v0  }
0x16: {  	[tilespmem:s8], [sflag:$0x1] =	stream.linear.gather [hbm4b:s4+s3], $0x2800, $0x38;
	[tilespmem:$0x2B00] =	vst v63  }
0x17: {  	_ =	swait.ge [sflag:s9], $0x2800  }
0x18: {  	[sflag:s9] =	ssyncset.done $0x0  }
0x19: {  	[sflag:s9] =	ssyncadd.s32 $0xFFFFD800  }
0x1a: {  	[spmem:s11], [sflag:s10] =	dma.local [hbm:s5], $0x50  }
0x1b: {  	_ =	swait.ge [sflag:s9], $0x50  }
0x1c: {  	[sflag:s9] =	ssyncset.done $0x0  }
0x1d: {  	[sflag:s9] =	ssyncadd.s32 $0xFFFFFFB0  }
0x1e: {  	s15 =	simm.s32 $0x80;
	[bflag:$0x0] =	sbarrier.arrive $0xFFFF  }
0x1f: {  	[spmem:s2] =	stream.indirect.scatter.add.f32 [tilespmem:s3], [sflag:$0x1], $0x1, s15, s8, $0xb8;
	[tilespmem:$0x2B00] =	vst v63  }
0x20: {  	s15 =	simm.s32 $0x200;
	_ =	swait.ge [sflag:s9], $0x80  }
.LBB2_2:
0x21: {  	s16 =	sshra.s32 s15, $0x2;
	[sflag:s9] =	ssyncset.done $0x0;
	p0 =	sne.s32 s15, $0x9E00  }
.Ltmp0:
0x22: {  	s16 =	sadd.s32 $0x80, s16;
	[sflag:s9] =	ssyncadd.s32 $0xFFFFFF80;
	(pc) =	sbr.rel @p0 .LBB2_2-.Ltmp0, $3  }
0x23: {  	[spmem:s2] =	stream.indirect.scatter.add.f32 [tilespmem:s3], [sflag:$0x1], $0x1, s16, s8, $0xb8;
	[tilespmem:$0x2B00] =	vst v63  }
0x24: {  	s15 =	sadd.s32 $0x200, s15;
	_ =	sdelay $0x1  }
0x25: {  	_ =	swait.ge [sflag:s9], $0x80  }
0x26: {  	[sflag:s9] =	ssyncset.done $0x0;
	s14 =	sadd.s32 $0x1, s14  }
0x27: {  	[sflag:s9] =	ssyncadd.s32 $0xFFFFFF80;
	p0 =	sne.s32 s14, s7  }
.Ltmp1:
0x28: {  	[bflag:$0x0] =	sbarrier.arrive $0xFFFF;
	(pc) =	sbr.rel @p0 .LBB2_1-.Ltmp1, $4  }
0x29: {  	[hbm:s6@s12], [sflag:s10] =	dma.strided [spmem:s11@s13], $0x50, s9, $0x10   }
0x2a: {  	_ =	swait.ge [sflag:s9], $0x50  }
0x2b: {  	[sflag:s9] =	ssyncset.done $0x0  }
0x2c: {  	[sflag:s9] =	ssyncadd.s32 $0xFFFFFFB0  }
0x2d: {  	_ =	sfence.sel $0x180000  }
0x2e: {  	[bflag:$0x0] =	sbarrier.arrive $0xFFFF  }
0x2f: {  	p0 =	sne.s32 s0, $0x0;
	_ =	strace $0x90000047  }
0x30: {  	s0 =	sadd.s32 @!p0 $0x100000, s1;
	[bflag:$0x2] =	sbarrier.arrive $0xFFFF  }
0x31: {  	[sflag:s0] =	ssyncadd.tile.s32 @!p0 $0x1;
	_ =	shalt  }
.Lfunc_end2:
_tile_overlayer_lowered:
.L_overlay_start_2:
0x32: {  	(tag) =	ssettag $0x2  }
0x33: {  	s0 =	rddreg [dreg:$0x0];
	s2 =	stileid.u32  }
0x34: {  	s1 =	rddreg [dreg:$0x1];
	p0 =	sne.s32 s2, $0x0  }
0x35: {  	s3 =	rddreg [dreg:$0x2];
	[bflag:$0x3] =	sbarrier.arrive $0xFFFF;
	s2 =	simm.s32 @!p0 $0x1C01  }
0x36: {  	[timem:s3], [sflag:s2] =	dma.local @!p0 [hbm:s0], s1  }
0x37: {  	s0 =	simm.s32 @!p0 $0x1  }
0x38: {  	_ =	swait.ge @!p0 [sflag:s0], s1  }
0x39: {  	s1 =	ssub.s32 @!p0 $0x0, s1;
	[sflag:s0] =	ssyncset.done @!p0 $0x0  }
0x3a: {  	[sflag:s0] =	ssyncadd.s32 @!p0 s1  }
0x3b: {  	[bflag:$0x3] =	sbarrier.arrive $0xFFFF  }
0x3c: {  	_ =	shalt  }

// kernel: kernel.9.cloned.1.call-start
scs
__scs_entry_jumppad:
0x0: {  	(pc) =	sbr.rel $0x88, $3  }
0x1: {  	(tag) =	ssettag $0x0;
	lr =	simm.s32 $0x1  }
0x2: {  	[smem:$0x3F9E] =	sst lr;
	_ =	strace $0xD0000000  }
0x3: {  	_ = 	snop  }
0x4: {  	_ = 	snop  }
0x5: {  	_ = 	snop  }
0x6: {  	_ = 	snop  }
0x7: {  	_ = 	snop  }
__scs_overlays_trampoline_lowered:
0x8: {  	[smem:$0x3FAD] =	sst s0  }
0x9: {  	[smem:$0x3FAE] =	sst s1  }
0xa: {  	[smem:$0x3FAF] =	sst s2  }
0xb: {  	[smem:$0x3FB0] =	sst s3  }
0xc: {  	[smem:$0x3FB1] =	sst s4  }
0xd: {  	[smem:$0x3FB2] =	sst s5  }
0xe: {  	[smem:$0x3FB3] =	sst s6  }
0xf: {  	[smem:$0x3FB4] =	sst s7  }
0x10: {  	[smem:$0x3FB5] =	sst s8  }
0x11: {  	[smem:$0x3FB6] =	sst s9;
	s0 =	simm.s32 @!p0 $0x0  }
0x12: {  	s1 =	sld [smem:$0x3F9C];
	s0 =	simm.s32 @p0 $0x1  }
0x13: {  	[smem:$0x3FB7] =	sst s0;
	s0 =	simm.s32 @!p1 $0x0  }
0x14: {  	s2 =	sld [smem:$0x3F9B];
	s0 =	simm.s32 @p1 $0x1  }
0x15: {  	[smem:$0x3FB8] =	sst s0;
	s0 =	simm.s32 @!p2 $0x0  }
0x16: {  	s3 =	sld [smem:$0x3FDB];
	s0 =	simm.s32 @p2 $0x1  }
0x17: {  	s4 =	simm.s32 $0x1BF5;
	[smem:$0x3FBA] =	sst s0  }
0x18: {  	s0 =	sld [smem:$0x3F9D];
	_ =	swait.ge [sflag:s4], $0x0  }
0x19: {  	s7 =	sld [smem:$0x3F9E]  }
0x1a: {  	s8 =	sadd.s32 $0xFFFFE003, lr  }
0x1b: {  	s9 =	sadd.s32 $0xFFFFFEF7, lr;
	s5 =	simm.s32 $0xFFFFFFFF;
	p2 =	slt.u32 s8, $0xFFFFF086  }
0x1c: {  	p1 =	slt.u32 s9, $0xF7A;
	s5 =	simm.s32 @!p2 $0x0  }
0x1d: {  	s5 =	simm.s32 @p1 $0x1;
	p0 =	seq.s32 s7, s2  }
0x1e: {  	s7 =	smul.u32 @!p0 $0xF7A, s2;
	p2 =	seq.s32 @!p0 s5, $0x0  }
0x1f: {  	s9 =	smul.u32 $0xF7A, s1;
	s8 =	simm.s32 @!p0 $0x1BF5;
	p2 =	por !p2, p0  }
0x20: {  	[sflag:s8] =	ssyncset.s32 @!p0 $0xFFFFF086;
	s6 =	sadd.s32 @!p0 s3, s7;
	s7 =	simm.s32 @!p0 $0x108  }
0x21: {  	s3 =	sadd.s32 s3, s9;
	s6 =	sadd.s32 @!p0 $0x88, s6;
	s7 =	simm.s32 @p2 $0x1082  }
0x22: {  	[simem:s7], [sflag:s8] =	dma.local @!p0 [hbm:s6], $0xF7A  }
0x23: {  	s9 =	sor.u32 $0xD0000000, s2;
	s6 =	simm.s32 $0x108;
	_ =	swait.ge @!p0 [sflag:s8], $0x0  }
0x24: {  	s3 =	sadd.s32 $0x88, s3;
	s6 =	simm.s32 @!p1 $0x1082;
	[sflag:s4] =	ssyncset.s32 $0xFFFFF086  }
0x25: {  	[simem:s6], [sflag:s4] =	dma.local [hbm:s3], $0xF7A  }
0x26: {  	[smem:$0x3F9E] =	sst s1;
	(tag) =	ssettag s2;
	_ =	strace s9  }
0x27: {  	s1 =	sld [smem:$0x3FAE]  }
0x28: {  	s2 =	sld [smem:$0x3FAF]  }
0x29: {  	s4 =	sld [smem:$0x3FB1]  }
0x2a: {  	p0 =	seq.s32 s5, $0x0;
	s5 =	sld [smem:$0x3FB2]  }
0x2b: {  	s6 =	sld [smem:$0x3FB3]  }
0x2c: {  	s7 =	sld [smem:$0x3FB4]  }
0x2d: {  	s3 =	simm.s32 $0x108;
	s8 =	sld [smem:$0x3FB5]  }
0x2e: {  	s3 =	simm.s32 @!p0 $0x1082;
	s9 =	sld [smem:$0x3FB6]  }
0x2f: {  	lr =	sadd.s32 s0, s3;
	s0 =	sld [smem:$0x3FAD]  }
0x30: {  	s3 =	sld [smem:$0x3FB0]  }
0x31: {  	[smem:$0x3FB9] =	sst s10  }
0x32: {  	s10 =	sld [smem:$0x3FB7];
	_ =	sdelay $0x3  }
0x33: {  	p0 =	seq.s32 s10, $0x1;
	s10 =	sld [smem:$0x3FB9];
	_ =	sdelay $0x3  }
0x34: {  	[smem:$0x3FB9] =	sst s10  }
0x35: {  	s10 =	sld [smem:$0x3FB8];
	_ =	sdelay $0x3  }
0x36: {  	p1 =	seq.s32 s10, $0x1;
	s10 =	sld [smem:$0x3FB9];
	_ =	sdelay $0x3  }
0x37: {  	[smem:$0x3FB9] =	sst s10  }
0x38: {  	s10 =	sld [smem:$0x3FBA]  }
0x39: {  	_ = 	snop;
	(pc) =	sbr.ind lr, $3  }
0x3a: {  	_ = 	snop  }
0x3b: {  	_ = 	snop  }
0x3c: {  	p2 =	seq.s32 s10, $0x1;
	s10 =	sld [smem:$0x3FB9]  }
0x3d: {  	_ =	shalt  }
0x3e: {  	_ =	shalt  }
0x3f: {  	_ =	shalt  }
0x40: {  	_ =	shalt  }
0x41: {  	_ =	shalt  }
0x42: {  	_ =	shalt  }
0x43: {  	_ =	shalt  }
0x44: {  	_ =	shalt  }
0x45: {  	_ =	shalt  }
0x46: {  	_ =	shalt  }
0x47: {  	_ =	shalt  }
0x48: {  	_ =	shalt  }
0x49: {  	_ =	shalt  }
0x4a: {  	_ =	shalt  }
0x4b: {  	_ =	shalt  }
0x4c: {  	_ =	shalt  }
0x4d: {  	_ =	shalt  }
0x4e: {  	_ =	shalt  }
0x4f: {  	_ =	shalt  }
0x50: {  	_ =	shalt  }
0x51: {  	_ =	shalt  }
0x52: {  	_ =	shalt  }
0x53: {  	_ =	shalt  }
0x54: {  	_ =	shalt  }
0x55: {  	_ =	shalt  }
0x56: {  	_ =	shalt  }
0x57: {  	_ =	shalt  }
0x58: {  	_ =	shalt  }
0x59: {  	_ =	shalt  }
0x5a: {  	_ =	shalt  }
0x5b: {  	_ =	shalt  }
0x5c: {  	_ =	shalt  }
0x5d: {  	_ =	shalt  }
0x5e: {  	_ =	shalt  }
0x5f: {  	_ =	shalt  }
0x60: {  	_ =	shalt  }
0x61: {  	_ =	shalt  }
0x62: {  	_ =	shalt  }
0x63: {  	_ =	shalt  }
0x64: {  	_ =	shalt  }
0x65: {  	_ =	shalt  }
0x66: {  	_ =	shalt  }
0x67: {  	_ =	shalt  }
0x68: {  	_ =	shalt  }
0x69: {  	_ =	shalt  }
0x6a: {  	_ =	shalt  }
0x6b: {  	_ =	shalt  }
0x6c: {  	_ =	shalt  }
0x6d: {  	_ =	shalt  }
0x6e: {  	_ =	shalt  }
0x6f: {  	_ =	shalt  }
0x70: {  	_ =	shalt  }
0x71: {  	_ =	shalt  }
0x72: {  	_ =	shalt  }
0x73: {  	_ =	shalt  }
0x74: {  	_ =	shalt  }
0x75: {  	_ =	shalt  }
0x76: {  	_ =	shalt  }
0x77: {  	_ =	shalt  }
0x78: {  	_ =	shalt  }
0x79: {  	_ =	shalt  }
0x7a: {  	_ =	shalt  }
0x7b: {  	_ =	shalt  }
0x7c: {  	_ =	shalt  }
0x7d: {  	_ =	shalt  }
0x7e: {  	_ =	shalt  }
0x7f: {  	_ =	shalt  }
0x80: {  	_ =	shalt  }
0x81: {  	_ =	shalt  }
0x82: {  	_ =	shalt  }
0x83: {  	_ =	shalt  }
0x84: {  	_ =	shalt  }
0x85: {  	_ =	shalt  }
0x86: {  	_ =	shalt  }
0x87: {  	_ =	shalt  }
.Lfunc_end0:
.L_simem_size_0:
called_computation.1_lowered:
.L_overlay_start_0:
0x88: {  	s2 =	sld [smem:$0x3FD9]  }
0x89: {  	s3 =	sld [smem:$0x3FFE];
	_ =	sdelay $0x1  }
0x8a: {  	s1 =	srdreg.scid  }
0x8b: {  	s0 =	sand.u32 $0x1, s1  }
0x8c: {  	s17 =	sshll.u32 s0, $0xA;
	s2 =	sadd.s32 s3, s2  }
0x8d: {  	s2 =	sadd.s32 s2, s17  }
0x8e: {  	[smem:$0x3FC5] =	sst s2  }
0x8f: {  	_ = 	snop  }
0x90: {  	s2 =	sld [smem:$0x3FD0];
	(tm) =	ssettm $0x1  }
0x91: {  	s18 =	sld [smem:$0x3FFB];
	_ =	sdelay $0x3  }
0x92: {  	_ =	strace s18  }
0x93: {  	s3 =	sld [smem:$0x3FFC];
	_ =	sdelay $0x3  }
0x94: {  	_ =	strace s3  }
0x95: {  	s3 =	sld [smem:$0x3FFD];
	_ =	sdelay $0x3  }
0x96: {  	_ =	strace s3  }
0x97: {  	_ =	strace $0x8FFFFFFF  }
0x98: {  	s19 =	sld [smem:$0x3FDB];
	_ =	sdelay $0x1  }
0x99: {  	s4 =	simm.s32 $_scs_section_size  }
0x9a: {  	s5 =	simm.s32 $_size__tile_overlayer_lowered;
	s6 =	simm.s32 $_tile_overlayer_lowered  }
0x9b: {  	s22 =	simm.s32 $0x1BFF;
	s21 =	sshll.u32 s6, $0x1;
	s3 =	sadd.s32 s4, s19  }
0x9c: {  	s7 =	simm.s32 $0x0;
	s20 =	sshll.u32 s5, $0x1;
	s5 =	sadd.s32 s21, s3  }
0x9d: {  	[timem:s7], [sflag:s22] =	dma.local [hbm:s5], s20  }
0x9e: {  	_ =	swait.ge [sflag:s22], s20  }
0x9f: {  	s4 =	ssub.s32 $0x0, s20;
	[sflag:s22] =	ssyncset.done $0x0  }
0xa0: {  	[sflag:s22] =	ssyncadd.s32 s4;
	_ =	sdelay $0x1  }
0xa1: {  	s23 =	simm.s32 $0x1B8B  }
0xa2: {  	_ =	swait.ge [sflag:s23], $0x1  }
0xa3: {  	[sflag:s23] =	ssyncset.done $0x0  }
0xa4: {  	s25 =	simm.s32 $0x1B8E;
	s24 =	sld [smem:$0x3FFE];
	[sflag:s23] =	ssyncadd.s32 $0xFFFFFFFF  }
0xa5: {  	s26 =	simm.s32 $execute0_lowered;
	[smem:$0x3FD2] =	sst s25  }
0xa6: {  	s5 =	sshll.u32 s26, $0x1;
	_ =	strace $0x80000049;
	[dreg:$0x1] =	wrdreg $0xFFFFFFFF  }
0xa7: {  	s28 =	simm.s32 $_size_execute0_lowered;
	s3 =	sadd.s32 s3, s5;
	[dreg:$0x0] =	wrdreg $0x0  }
0xa8: {  	s5 =	sshll.u32 s28, $0x1;
	[dreg:$0x2] =	wrdreg s3  }
0xa9: {  	[dreg:$0x3] =	wrdreg s5  }
0xaa: {  	[dreg:$0x4] =	wrdreg $0xC0  }
0xab: {  	_ =	task [dreg:s7], $0x5FFFF  }
0xac: {  	[dreg:$0x1] =	wrdreg $0xFFFFFFFF  }
0xad: {  	[dreg:$0x0] =	wrdreg $0x60  }
0xae: {  	[dreg:$0x2] =	wrdreg s2  }
0xaf: {  	[dreg:$0x3] =	wrdreg s24  }
0xb0: {  	[dreg:$0x4] =	wrdreg $0x90000  }
0xb1: {  	[dreg:$0x5] =	wrdreg $0x9  }
0xb2: {  	_ =	task.clear_ibuf [dreg:s7], $0x6FFFF;
	_ =	strace $0x90000049  }
0xb3: {  	s29 =	simm.s32 $0x9;
	_ =	strace $0x8000004B  }
0xb4: {  	_ =	swait.ge [sflag:s29], $0x1  }
0xb5: {  	[sflag:s29] =	ssyncadd.s32 $0xFFFFFFFF  }
0xb6: {  	_ =	strace $0x9000004B  }
0xb7: {  	_ =	sfence  }
0xb8: {  	s30 =	sld [smem:$0x0];
	_ =	sdelay $0x2  }
0xb9: {  	s31 =	sshll.u32 s1, $0xD;
	s1 =	sshrl.u32 s1, $0x2  }
0xba: {  	s3 =	sand.u32 $0x4000, s31;
	s1 =	sadd.s32 s1, s30  }
0xbb: {  	s0 =	sor.u32 s3, s0;
	s1 =	sshll.u32 s1, $0x11  }
0xbc: {  	s0 =	sor.u32 s1, s0  }
0xbd: {  	s0 =	sadd.s32 $0x8F2B, s0  }
0xbe: {  	[sflag:s0] =	ssyncadd.remote.s32 $0x1  }
0xbf: {  	_ =	sfence.sel $0xFFFF  }
0xc0: {  	[dreg:$0x0] =	wrdreg $0xFFFFFFFF;
	(pc) =	sbr.abs _section_cstart, $3  }
0xc1: {  	[dreg:$0x1] =	wrdreg $0xFFFFFFFF  }
0xc2: {  	_ =	task.clear_ibuf [dreg:s7], $0x2FFFF;
	_ =	strace $0x9FFFFFFF  }
0xc3: {  	(tm) =	ssettm $0x7FFFFFFF  }
tec
execute0_lowered:
.L_overlay_start_1:
0x0: {  	(tag) =	ssettag $0x1  }
0x1: {  	s2 =	rddreg [dreg:$0x0]  }
0x2: {  	s7 =	rddreg [dreg:$0x1]  }
0x3: {  	s3 =	rddreg [dreg:$0x2]  }
0x4: {  	s0 =	rddreg [dreg:$0x3]  }
0x5: {  	s1 =	stileid.u32;
	s5 =	srdreg.scid;
	s4 =	simm.s32 $0x0  }
0x6: {  	s15 =	simm.s32 $0x1;
	s16 =	simm.s32 $0x80;
	s17 =	simm.s32 $0xF80  }
0x7: {  	s18 =	simm.s32 $0x5000;
	s8 =	smul.u32 $0x14000, s1;
	s9 =	sand.u32 $0x1, s5  }
0x8: {  	[smem:$0x7FF] =	sst s4;
	s5 =	sadd.s32 $0x1200, s7;
	s6 =	sadd.s32 $0x5B200, s7  }
0x9: {  	s12 =	smul.u32 $0x50000, s1;
	s29 =	sshll.u32 s1, $0x1;
	s31 =	sshll.u32 s1, $0x6  }
0xa: {  	s10 =	smul.u32 $0x140000, s9;
	_ =	strace $0x8000004A;
	s26 =	ssub.s32 $0x2, s9  }
0xb: {  	s9 =	sor.u32 s9, s29;
	s11 =	sshrl.u32 s8, $0x3;
	s28 =	sshrl.u32 s26, $0x1  }
0xc: {  	s30 =	sshrl.u32 s12, $0x2;
	s9 =	smul.u32 $0x2800, s9;
	s8 =	sadd.s32 s8, s10  }
0xd: {  	s11 =	sadd.s32 s11, s7;
	s12 =	sadd.s32 s30, s3;
	s8 =	sshrl.u32 s8, $0x3  }
0xe: {  	s14 =	ssub.s32 s26, s28;
	s12 =	sshrl.u32 s12, $0x3;
	s13 =	sadd.s32 s8, s7  }
0xf: {  	s7 =	sadd.s32 $0x83200, s11;
	s8 =	sor.u32 $0x1C02, s31;
	s11 =	smax.u32 s14, $0x1  }
0x10: {  	s14 =	simm.s32 $0x1000;
	s10 =	sadd.s32 $0xAB200, s13;
	s13 =	simm.s32 $0x2  }
.LBB2_1:
0x11: {  	[spmem:s12], [sflag:s8] =	dma.local [hbm:s7], $0x2800  }
0x12: {  	_ =	swait.ge [sflag:s13], $0x2800  }
0x13: {  	[sflag:s13] =	ssyncset.done $0x0  }
0x14: {  	[sflag:s13] =	ssyncadd.s32 $0xFFFFD800  }
0x15: {  	s19 =	simm.s32 $0x0;
	[bflag:$0x0] =	sbarrier.arrive $0xFFFF  }
.LBB2_2:
0x16: {  	s20 =	sshll.u32 s19, $0xB  }
0x17: {  	s20 =	sadd.s32 s9, s20  }
0x18: {  	s20 =	sshrl.u32 s20, $0x3  }
0x19: {  	s22 =	simm.s32 $0x0;
	s21 =	sadd.s32 s2, s20  }
0x1a: {  	[tilespmem:s22], [sflag:$0x2] =	stream.linear.gather [hbm4b:s21+s22], $0x800, $0x38;
	[tilespmem:$0x1D000] =	vst v63  }
0x1b: {  	_ =	swait.ge [sflag:s13], $0x800  }
0x1c: {  	[sflag:s13] =	ssyncset.done $0x0  }
0x1d: {  	s20 =	sadd.s32 s5, s20;
	s21 =	simm.s32 $0x800;
	[sflag:s13] =	ssyncadd.s32 $0xFFFFF800  }
0x1e: {  	[tilespmem:s21], [sflag:$0x2] =	stream.linear.gather [hbm4b:s20+s22], $0x800, $0x38;
	[tilespmem:$0x1D000] =	vst v63  }
0x1f: {  	_ =	swait.ge [sflag:s13], $0x800  }
0x20: {  	[sflag:s13] =	ssyncset.done $0x0  }
0x21: {  	s20 =	simm.s32 $0x80;
	[sflag:s13] =	ssyncadd.s32 $0xFFFFF800  }
0x22: {  	[tilespmem:s14], [sflag:$0x1] =	stream.indirect.gather [hbm4b:s6+s20], $0x80, s22, s20, $0xb8;
	[tilespmem:$0x1D000] =	vst v63  }
0x23: {  	s22 =	sand.u32 $0x1, s22  }
0x24: {  	p0 =	seq.s32 s22, $0x1  }
0x25: {  	s22 =	simm.s32 @p0 $0x80;
	s23 =	simm.s32 @p0 $0x1000;
	s24 =	simm.s32 @p0 $0x1  }
0x26: {  	[tilespmem:s23], [sflag:$0x1] =	stream.indirect.gather @p0 [hbm4b:s6+s22], $0x80, s20, s22, $0xb8;
	[tilespmem:$0x1D000] =	vst v63  }
0x27: {  	_ =	swait.ge @p0 [sflag:s24], $0x4000  }
0x28: {  	[sflag:s24] =	ssyncset.done @p0 $0x0  }
0x29: {  	s23 =	simm.s32 @p0 $0x5000;
	[sflag:s24] =	ssyncadd.s32 @p0 $0xFFFFC000  }
0x2a: {  	[spmem:s3] =	stream.indirect.scatter.add.f32 @p0 [tilespmem:s23], [sflag:$0x2], $0x80, s21, s22, $0xb8;
	[tilespmem:$0x1D000] =	vst v63  }
0x2b: {  	s24 =	simm.s32 @!p0 $0x1;
	s22 =	simm.s32 @!p0 $0x80;
	s23 =	simm.s32 @!p0 $0x5000  }
0x2c: {  	[tilespmem:s23], [sflag:$0x1] =	stream.indirect.gather @!p0 [hbm4b:s6+s22], $0x80, s20, s22, $0xb8;
	[tilespmem:$0x1D000] =	vst v63  }
0x2d: {  	_ =	swait.ge @!p0 [sflag:s24], $0x4000  }
0x2e: {  	s31 =	simm.s32 $0x1;
	s23 =	simm.s32 @!p0 $0x3;
	[sflag:s24] =	ssyncset.done @!p0 $0x0  }
0x2f: {  	s23 =	simm.s32 @p0 $0x2;
	[sflag:s24] =	ssyncadd.s32 @!p0 $0xFFFFC000;
	s24 =	simm.s32 @!p0 $0x1000  }
0x30: {  	[spmem:s3] =	stream.indirect.scatter.add.f32 @!p0 [tilespmem:s24], [sflag:$0x3], $0x80, s21, s22, $0xb8;
	[tilespmem:$0x1D000] =	vst v63  }
0x31: {  	s20 =	simm.s32 $0x880;
	s22 =	simm.s32 $0x2;
	_ =	swait.ge [sflag:s23], $0x4000  }
0x32: {  	s21 =	simm.s32 $0x100;
	s24 =	sand.u32 $0x1, s31;
	[sflag:s23] =	ssyncset.done $0x0  }
.LBB2_3:
0x33: {  	p0 =	seq.s32 s24, $0x1  }
0x34: {  	[sflag:s23] =	ssyncadd.s32 $0xFFFFC000;
	s24 =	smov.u32 s22;
	s22 =	sadd.s32 $0x1, s22  }
0x35: {  	s25 =	simm.s32 @p0 $0x80;
	s23 =	simm.s32 @p0 $0x1000;
	s26 =	simm.s32 @p0 $0x1  }
0x36: {  	[tilespmem:s23], [sflag:$0x1] =	stream.indirect.gather @p0 [hbm4b:s6+s25], $0x80, s21, s25, $0xb8;
	[tilespmem:$0x1D000] =	vst v63  }
0x37: {  	p1 =	sne.s32 s22, $0xF;
	s23 =	simm.s32 @!p0 $0x3;
	_ =	swait.ge @p0 [sflag:s26], $0x4000  }
0x38: {  	[sflag:s26] =	ssyncset.done @p0 $0x0  }
0x39: {  	[sflag:s26] =	ssyncadd.s32 @p0 $0xFFFFC000;
	s26 =	simm.s32 @p0 $0x5000  }
0x3a: {  	[spmem:s3] =	stream.indirect.scatter.add.f32 @p0 [tilespmem:s26], [sflag:$0x2], $0x80, s20, s25, $0xb8;
	[tilespmem:$0x1D000] =	vst v63  }
0x3b: {  	s28 =	simm.s32 @!p0 $0x1;
	s25 =	simm.s32 @!p0 $0x80;
	s26 =	simm.s32 @!p0 $0x5000  }
0x3c: {  	[tilespmem:s26], [sflag:$0x1] =	stream.indirect.gather @!p0 [hbm4b:s6+s25], $0x80, s21, s25, $0xb8;
	[tilespmem:$0x1D000] =	vst v63  }
0x3d: {  	_ =	swait.ge @!p0 [sflag:s28], $0x4000  }
.Ltmp0:
0x3e: {  	[sflag:s28] =	ssyncset.done @!p0 $0x0;
	(pc) =	sbr.rel @p1 .LBB2_3-.Ltmp0, $4  }
0x3f: {  	s23 =	simm.s32 @p0 $0x2;
	s26 =	simm.s32 @!p0 $0x1000;
	[sflag:s28] =	ssyncadd.s32 @!p0 $0xFFFFC000  }
0x40: {  	[spmem:s3] =	stream.indirect.scatter.add.f32 @!p0 [tilespmem:s26], [sflag:$0x3], $0x80, s20, s25, $0xb8;
	[tilespmem:$0x1D000] =	vst v63  }
0x41: {  	s21 =	sadd.s32 $0x80, s21;
	_ =	swait.ge [sflag:s23], $0x4000  }
0x42: {  	s24 =	sand.u32 $0x1, s24;
	s20 =	sadd.s32 $0x80, s20;
	[sflag:s23] =	ssyncset.done $0x0  }
0x43: {  	p0 =	seq.s32 s24, $0x1;
	[sflag:s23] =	ssyncadd.s32 $0xFFFFC000  }
0x44: {  	s22 =	simm.s32 @p0 $0x80;
	s23 =	simm.s32 @p0 $0x1000;
	s24 =	simm.s32 @p0 $0x1  }
0x45: {  	[tilespmem:s23], [sflag:$0x1] =	stream.indirect.gather @p0 [hbm4b:s6+s22], $0x80, s21, s22, $0xb8;
	[tilespmem:$0x1D000] =	vst v63  }
0x46: {  	_ =	swait.ge @p0 [sflag:s24], $0x4000  }
0x47: {  	[sflag:s24] =	ssyncset.done @p0 $0x0  }
0x48: {  	s23 =	simm.s32 @p0 $0x5000;
	[sflag:s24] =	ssyncadd.s32 @p0 $0xFFFFC000  }
0x49: {  	[spmem:s3] =	stream.indirect.scatter.add.f32 @p0 [tilespmem:s23], [sflag:$0x2], $0x80, s20, s22, $0xb8;
	[tilespmem:$0x1D000] =	vst v63  }
0x4a: {  	s24 =	simm.s32 @!p0 $0x1;
	s22 =	simm.s32 @!p0 $0x80;
	s23 =	simm.s32 @!p0 $0x5000  }
0x4b: {  	[tilespmem:s23], [sflag:$0x1] =	stream.indirect.gather @!p0 [hbm4b:s6+s22], $0x80, s21, s22, $0xb8;
	[tilespmem:$0x1D000] =	vst v63  }
0x4c: {  	_ =	swait.ge @!p0 [sflag:s24], $0x4000  }
0x4d: {  	s21 =	simm.s32 @!p0 $0x3;
	[sflag:s24] =	ssyncset.done @!p0 $0x0  }
0x4e: {  	s23 =	simm.s32 @!p0 $0x1000;
	s21 =	simm.s32 @p0 $0x2;
	[sflag:s24] =	ssyncadd.s32 @!p0 $0xFFFFC000  }
0x4f: {  	[spmem:s3] =	stream.indirect.scatter.add.f32 @!p0 [tilespmem:s23], [sflag:$0x3], $0x80, s20, s22, $0xb8;
	[tilespmem:$0x1D000] =	vst v63  }
0x50: {  	_ =	swait.ge [sflag:s21], $0x4000  }
0x51: {  	[sflag:s21] =	ssyncset.done $0x0  }
0x52: {  	[sflag:s21] =	ssyncadd.s32 $0xFFFFC000  }
0x53: {  	s19 =	sadd.s32 $0x1, s19;
	_ =	swait.ge [sflag:s15], $0x4000  }
0x54: {  	p0 =	sne.s32 s19, $0x5;
	[sflag:s15] =	ssyncset.done $0x0  }
.Ltmp1:
0x55: {  	[sflag:s15] =	ssyncadd.s32 $0xFFFFC000;
	(pc) =	sbr.rel @p0 .LBB2_2-.Ltmp1, $4  }
0x56: {  	[spmem:s3] =	stream.indirect.scatter.add.f32 [tilespmem:s18], [sflag:$0x2], $0x80, s17, s16, $0xb8;
	[tilespmem:$0x1D000] =	vst v63  }
0x57: {  	_ =	swait.ge [sflag:s13], $0x4000  }
0x58: {  	[sflag:s13] =	ssyncset.done $0x0  }
0x59: {  	[sflag:s13] =	ssyncadd.s32 $0xFFFFC000  }
0x5a: {  	s4 =	sadd.s32 $0x1, s4  }
0x5b: {  	p0 =	sne.s32 s4, s11  }
.Ltmp2:
0x5c: {  	[bflag:$0x0] =	sbarrier.arrive $0xFFFF;
	(pc) =	sbr.rel @p0 .LBB2_1-.Ltmp2, $4  }
0x5d: {  	[hbm:s10], [sflag:s8] =	dma.local [spmem:s12], $0x2800  }
0x5e: {  	_ =	swait.ge [sflag:s13], $0x2800  }
0x5f: {  	[sflag:s13] =	ssyncset.done $0x0  }
0x60: {  	[sflag:s13] =	ssyncadd.s32 $0xFFFFD800  }
0x61: {  	_ =	sfence.sel $0x180000  }
0x62: {  	[bflag:$0x0] =	sbarrier.arrive $0xFFFF  }
0x63: {  	p0 =	sne.s32 s1, $0x0;
	_ =	strace $0x9000004A  }
0x64: {  	s0 =	sadd.s32 @!p0 $0x100000, s0;
	[bflag:$0x2] =	sbarrier.arrive $0xFFFF  }
0x65: {  	[sflag:s0] =	ssyncadd.tile.s32 @!p0 $0x1;
	_ =	shalt  }
.Lfunc_end2:
_tile_overlayer_lowered:
.L_overlay_start_2:
0x66: {  	(tag) =	ssettag $0x2  }
0x67: {  	s0 =	rddreg [dreg:$0x0];
	s2 =	stileid.u32  }
0x68: {  	s1 =	rddreg [dreg:$0x1];
	p0 =	sne.s32 s2, $0x0  }
0x69: {  	s3 =	rddreg [dreg:$0x2];
	[bflag:$0x3] =	sbarrier.arrive $0xFFFF;
	s2 =	simm.s32 @!p0 $0x1C02  }
0x6a: {  	[timem:s3], [sflag:s2] =	dma.local @!p0 [hbm:s0], s1  }
0x6b: {  	s0 =	simm.s32 @!p0 $0x2  }
0x6c: {  	_ =	swait.ge @!p0 [sflag:s0], s1  }
0x6d: {  	s1 =	ssub.s32 @!p0 $0x0, s1;
	[sflag:s0] =	ssyncset.done @!p0 $0x0  }
0x6e: {  	[sflag:s0] =	ssyncadd.s32 @!p0 s1  }
0x6f: {  	[bflag:$0x3] =	sbarrier.arrive $0xFFFF  }
0x70: {  	_ =	shalt  }

</sc_bundles>
